<compile_context>
chip_gen: v7x
topology: tpu7x:2x2x1
jax: 0.10.2.dev20260603
libtpu: 0.0.44.dev20260713+nightly
codegen_flags: <defaults>
</compile_context>

<pallas_src>
import functools

import jax
import jax.numpy as jnp
from jax import lax
from jax.experimental import pallas as pl
from jax.experimental.pallas import tpu as pltpu
from jax.experimental.pallas import tpu_sc as plsc

DIM = 128
LANES = 16


def _make_kernel(n_rows: int, chunk: int):
    info = plsc.get_sparse_core_info()
    nc, ns = info.num_cores, info.num_subcores
    nw = nc * ns
    rows_per_w = n_rows // nw
    n_chunks = rows_per_w // chunk
    n_pairs = n_chunks // 2
    mesh = plsc.VectorSubcoreMesh(core_axis_name="c", subcore_axis_name="s")

    @functools.partial(
        pl.kernel,
        mesh=mesh,
        out_type=jax.ShapeDtypeStruct((n_rows, DIM), jnp.float32),
        scratch_types=[
            pltpu.VMEM((2, chunk), jnp.int32),
            pltpu.VMEM((2, chunk), jnp.int32),
            pltpu.VMEM((2, chunk, DIM), jnp.float32),
            pltpu.VMEM((2, chunk, DIM), jnp.float32),
            pltpu.VMEM((2, chunk, DIM), jnp.float32),
            pltpu.SemaphoreType.DMA,
            pltpu.SemaphoreType.DMA,
            pltpu.SemaphoreType.DMA,
            pltpu.SemaphoreType.DMA,
            pltpu.SemaphoreType.DMA,
            pltpu.SemaphoreType.DMA,
            pltpu.SemaphoreType.DMA,
            pltpu.SemaphoreType.DMA,
        ],
    )
    def k(tok_hbm, pos_hbm, emb_hbm, ptab_hbm, out_hbm,
          tok_v, pos_v, erows_v, prows_v, obuf_v,
          isem0, isem1, esem0, esem1, psem0, psem1, wsem0, wsem1):
        isem = (isem0, isem1)
        esem = (esem0, esem1)
        psem = (psem0, psem1)
        wsem = (wsem0, wsem1)
        wid = lax.axis_index("s") * nc + lax.axis_index("c")
        wbase = wid * rows_per_w

        def fire_idx(g, b):
            base = wbase + g * chunk
            pltpu.async_copy(tok_hbm.at[pl.ds(base, chunk)], tok_v.at[b], isem[b])
            pltpu.async_copy(pos_hbm.at[pl.ds(base, chunk)], pos_v.at[b], isem[b])

        def wait_idx(b):
            pltpu.make_async_copy(tok_hbm.at[pl.ds(0, chunk)], tok_v.at[b], isem[b]).wait()
            pltpu.make_async_copy(pos_hbm.at[pl.ds(0, chunk)], pos_v.at[b], isem[b]).wait()

        def fire_gather(b):
            pltpu.async_copy(emb_hbm.at[tok_v.at[b]], erows_v.at[b], esem[b])
            pltpu.async_copy(ptab_hbm.at[pos_v.at[b]], prows_v.at[b], psem[b])

        def wait_gather(b):
            pltpu.make_async_copy(emb_hbm.at[tok_v.at[b]], erows_v.at[b], esem[b]).wait()
            pltpu.make_async_copy(ptab_hbm.at[pos_v.at[b]], prows_v.at[b], psem[b]).wait()

        def fire_wb(g, b):
            base = wbase + g * chunk
            pltpu.async_copy(obuf_v.at[b], out_hbm.at[pl.ds(base, chunk)], wsem[b])

        def wait_wb(b):
            pltpu.make_async_copy(obuf_v.at[b], out_hbm.at[pl.ds(0, chunk)], wsem[b]).wait()

        def add(b):
            @plsc.parallel_loop(0, chunk, unroll=2)
            def _row(r):
                for j in range(DIM // LANES):
                    sl = pl.ds(j * LANES, LANES)
                    obuf_v[b, r, sl] = erows_v[b, r, sl] + prows_v[b, r, sl]

        fire_idx(0, 0)
        fire_idx(1, 1)
        wait_idx(0)
        fire_gather(0)
        wait_idx(1)
        fire_gather(1)

        def pair_body(h, _):
            for b in range(2):
                g = 2 * h + b

                wait_gather(b)

                @pl.when(h < n_pairs - 1)
                def _prefetch_idx():
                    fire_idx(g + 2, b)

                @pl.when(h > 0)
                def _drain_wb():
                    wait_wb(b)

                add(b)
                fire_wb(g, b)

                @pl.when(h < n_pairs - 1)
                def _next_gather():
                    wait_idx(b)
                    fire_gather(b)

            return 0

        lax.fori_loop(0, n_pairs, pair_body, 0)
        wait_wb(0)
        wait_wb(1)

    return k


def kernel(input_tensor, incremental_mask, emb_table, pos_table):
    b, l = input_tensor.shape
    n = b * l
    tok = input_tensor.reshape(n)
    pos = incremental_mask.reshape(n)
    out = _make_kernel(n, 128)(tok, pos, emb_table, pos_table)
    return out.reshape(b, l, DIM)

# --- scband reference (transcript-rebuilt; emitter-appended) ---
"""Pipeline reference for scband-input-layer-with-absolute-position-19327352832124 (READ-ONLY COPY).

The authoritative reference and input builder live on the scoring server;
editing this copy changes nothing except your own understanding.
"""

import jax, jax.numpy as jnp
import numpy as np

VOCAB = 100000
DIM = 128
MAXLEN = 512
B = 1024
L = 512


def _position_enc():
    pos = np.arange(MAXLEN + 1, dtype=np.float64)[:, None]
    j = np.arange(DIM, dtype=np.float64)[None, :]
    enc = pos / np.power(10000.0, 2.0 * (np.floor(j / 2.0)) / DIM)
    enc[0, :] = 0.0
    enc[1:, 0::2] = np.sin(enc[1:, 0::2])
    enc[1:, 1::2] = np.cos(enc[1:, 1::2])
    return jnp.asarray(enc, dtype=jnp.float32)


def setup_inputs(seed: int = 0) -> dict:
    key = jax.random.key(seed)
    k1, k2, k3 = jax.random.split(key, 3)
    input_tensor = jax.random.randint(k1, (B, L), 0, VOCAB, dtype=jnp.int32)
    incremental_mask = jax.random.randint(k2, (B, L), 0, MAXLEN + 1, dtype=jnp.int32)
    emb_table = jax.random.normal(k3, (VOCAB, DIM), dtype=jnp.float32)
    pos_table = _position_enc()
    return {
        "input_tensor": input_tensor,
        "incremental_mask": incremental_mask,
        "emb_table": emb_table,
        "pos_table": pos_table,
    }


def reference(input_tensor, incremental_mask, emb_table, pos_table):
    # token embedding lookup: (B, L) -> (B, L, DIM)
    tok = jnp.take(emb_table, input_tensor, axis=0)
    # absolute position embedding lookup (padding idx 0 maps to the all-zero row)
    pos = jnp.take(pos_table, incremental_mask, axis=0)
    return tok + pos

if __name__ == "__main__":
    import jax
    _d = setup_inputs()
    print(jax.jit(kernel)(*tuple(_d.values())))

</pallas_src>

<mosaic_0001>
#map = affine_map<(d0, d1) -> (0)>
#map1 = affine_map<(d0, d1) -> (0, 0)>
module attributes {stable_mosaic.version = 14 : i64} {
  func.func @k(%arg0: i32, %arg1: i32, %arg2: memref<524288xi32, #tpu.memory_space<hbm>>, %arg3: memref<524288xi32, #tpu.memory_space<hbm>>, %arg4: memref<100000x128xf32, #tpu.memory_space<hbm>>, %arg5: memref<513x128xf32, #tpu.memory_space<hbm>>, %arg6: memref<524288x128xf32, #tpu.memory_space<hbm>>, %arg7: memref<2x128xi32, #tpu.memory_space<vmem>>, %arg8: memref<2x128xi32, #tpu.memory_space<vmem>>, %arg9: memref<2x128x128xf32, #tpu.memory_space<vmem>>, %arg10: memref<2x128x128xf32, #tpu.memory_space<vmem>>, %arg11: memref<2x128x128xf32, #tpu.memory_space<vmem>>, %arg12: memref<!tpu.dma_semaphore, #tpu.memory_space<semaphore_mem>>, %arg13: memref<!tpu.dma_semaphore, #tpu.memory_space<semaphore_mem>>, %arg14: memref<!tpu.dma_semaphore, #tpu.memory_space<semaphore_mem>>, %arg15: memref<!tpu.dma_semaphore, #tpu.memory_space<semaphore_mem>>, %arg16: memref<!tpu.dma_semaphore, #tpu.memory_space<semaphore_mem>>, %arg17: memref<!tpu.dma_semaphore, #tpu.memory_space<semaphore_mem>>, %arg18: memref<!tpu.dma_semaphore, #tpu.memory_space<semaphore_mem>>, %arg19: memref<!tpu.dma_semaphore, #tpu.memory_space<semaphore_mem>>) attributes {dimension_semantics = [#tpu.dimension_semantics<core_parallel>, #tpu.dimension_semantics<subcore_parallel>], iteration_bounds = array<i64: 2, 16>, scalar_prefetch = 0 : i64, scratch_operands = 13 : i64, tpu.core_type = #tpu.core_type<sc_vector_subcore>, window_params = [{transform_indices = #map}, {transform_indices = #map}, {transform_indices = #map1}, {transform_indices = #map1}, {transform_indices = #map1}]} {
    %mul3A = arith.constant 2 : i32
    %mul3A_0 = arith.muli %arg1, %mul3A : i32
    %add3A = arith.addi %mul3A_0, %arg0 : i32
    %mul3A_1 = arith.constant 16384 : i32
    %mul3A_2 = arith.muli %add3A, %mul3A_1 : i32
    %add3A_3 = arith.constant 0 : i32
    %add3A_4 = arith.addi %mul3A_2, %add3A_3 : i32
    %dma_start3A = arith.constant 0 : i32
    %dma_start3A_5 = arith.constant 0 : i32
    %dma_start3A_6 = tpu.memref_slice %arg7[%dma_start3A, %dma_start3A_5] : memref<2x128xi32, #tpu.memory_space<vmem>> -> memref<1x128xi32, #tpu.memory_space<vmem>>
    %dma_start3A_7 = tpu.memref_squeeze %dma_start3A_6 : memref<1x128xi32, #tpu.memory_space<vmem>> -> memref<128xi32, #tpu.memory_space<vmem>>
    %dma_start3A_8 = tpu.memref_slice %arg2[%add3A_4] : memref<524288xi32, #tpu.memory_space<hbm>> -> memref<128xi32, #tpu.memory_space<hbm>>
    %dma_start3A_9 = arith.constant 0 : i32
    %dma_start3A_10 = tpu.memref_slice %arg7[%dma_start3A, %dma_start3A_9] : memref<2x128xi32, #tpu.memory_space<vmem>> -> memref<1x128xi32, #tpu.memory_space<vmem>>
    %dma_start3A_11 = tpu.memref_squeeze %dma_start3A_10 : memref<1x128xi32, #tpu.memory_space<vmem>> -> memref<128xi32, #tpu.memory_space<vmem>>
    %dma_start3A_12 = tpu.memref_slice %arg2[%add3A_4] : memref<524288xi32, #tpu.memory_space<hbm>> -> memref<128xi32, #tpu.memory_space<hbm>>
    tpu.enqueue_dma source(%dma_start3A_12 : memref<128xi32, #tpu.memory_space<hbm>>) target(%dma_start3A_11 : memref<128xi32, #tpu.memory_space<vmem>>) target_semaphore(%arg12 : memref<!tpu.dma_semaphore, #tpu.memory_space<semaphore_mem>>)
    %dma_start3A_13 = arith.constant 0 : i32
    %dma_start3A_14 = arith.constant 0 : i32
    %dma_start3A_15 = tpu.memref_slice %arg8[%dma_start3A_13, %dma_start3A_14] : memref<2x128xi32, #tpu.memory_space<vmem>> -> memref<1x128xi32, #tpu.memory_space<vmem>>
    %dma_start3A_16 = tpu.memref_squeeze %dma_start3A_15 : memref<1x128xi32, #tpu.memory_space<vmem>> -> memref<128xi32, #tpu.memory_space<vmem>>
    %dma_start3A_17 = tpu.memref_slice %arg3[%add3A_4] : memref<524288xi32, #tpu.memory_space<hbm>> -> memref<128xi32, #tpu.memory_space<hbm>>
    %dma_start3A_18 = arith.constant 0 : i32
    %dma_start3A_19 = tpu.memref_slice %arg8[%dma_start3A_13, %dma_start3A_18] : memref<2x128xi32, #tpu.memory_space<vmem>> -> memref<1x128xi32, #tpu.memory_space<vmem>>
    %dma_start3A_20 = tpu.memref_squeeze %dma_start3A_19 : memref<1x128xi32, #tpu.memory_space<vmem>> -> memref<128xi32, #tpu.memory_space<vmem>>
    %dma_start3A_21 = tpu.memref_slice %arg3[%add3A_4] : memref<524288xi32, #tpu.memory_space<hbm>> -> memref<128xi32, #tpu.memory_space<hbm>>
    tpu.enqueue_dma source(%dma_start3A_21 : memref<128xi32, #tpu.memory_space<hbm>>) target(%dma_start3A_20 : memref<128xi32, #tpu.memory_space<vmem>>) target_semaphore(%arg12 : memref<!tpu.dma_semaphore, #tpu.memory_space<semaphore_mem>>)
    %add3A_22 = arith.constant 128 : i32
    %add3A_23 = arith.addi %mul3A_2, %add3A_22 : i32
    %dma_start3A_24 = arith.constant 1 : i32
    %dma_start3A_25 = arith.constant 0 : i32
    %dma_start3A_26 = tpu.memref_slice %arg7[%dma_start3A_24, %dma_start3A_25] : memref<2x128xi32, #tpu.memory_space<vmem>> -> memref<1x128xi32, #tpu.memory_space<vmem>>
    %dma_start3A_27 = tpu.memref_squeeze %dma_start3A_26 : memref<1x128xi32, #tpu.memory_space<vmem>> -> memref<128xi32, #tpu.memory_space<vmem>>
    %dma_start3A_28 = tpu.memref_slice %arg2[%add3A_23] : memref<524288xi32, #tpu.memory_space<hbm>> -> memref<128xi32, #tpu.memory_space<hbm>>
    %dma_start3A_29 = arith.constant 0 : i32
    %dma_start3A_30 = tpu.memref_slice %arg7[%dma_start3A_24, %dma_start3A_29] : memref<2x128xi32, #tpu.memory_space<vmem>> -> memref<1x128xi32, #tpu.memory_space<vmem>>
    %dma_start3A_31 = tpu.memref_squeeze %dma_start3A_30 : memref<1x128xi32, #tpu.memory_space<vmem>> -> memref<128xi32, #tpu.memory_space<vmem>>
    %dma_start3A_32 = tpu.memref_slice %arg2[%add3A_23] : memref<524288xi32, #tpu.memory_space<hbm>> -> memref<128xi32, #tpu.memory_space<hbm>>
    tpu.enqueue_dma source(%dma_start3A_32 : memref<128xi32, #tpu.memory_space<hbm>>) target(%dma_start3A_31 : memref<128xi32, #tpu.memory_space<vmem>>) target_semaphore(%arg13 : memref<!tpu.dma_semaphore, #tpu.memory_space<semaphore_mem>>)
    %dma_start3A_33 = arith.constant 1 : i32
    %dma_start3A_34 = arith.constant 0 : i32
    %dma_start3A_35 = tpu.memref_slice %arg8[%dma_start3A_33, %dma_start3A_34] : memref<2x128xi32, #tpu.memory_space<vmem>> -> memref<1x128xi32, #tpu.memory_space<vmem>>
    %dma_start3A_36 = tpu.memref_squeeze %dma_start3A_35 : memref<1x128xi32, #tpu.memory_space<vmem>> -> memref<128xi32, #tpu.memory_space<vmem>>
    %dma_start3A_37 = tpu.memref_slice %arg3[%add3A_23] : memref<524288xi32, #tpu.memory_space<hbm>> -> memref<128xi32, #tpu.memory_space<hbm>>
    %dma_start3A_38 = arith.constant 0 : i32
    %dma_start3A_39 = tpu.memref_slice %arg8[%dma_start3A_33, %dma_start3A_38] : memref<2x128xi32, #tpu.memory_space<vmem>> -> memref<1x128xi32, #tpu.memory_space<vmem>>
    %dma_start3A_40 = tpu.memref_squeeze %dma_start3A_39 : memref<1x128xi32, #tpu.memory_space<vmem>> -> memref<128xi32, #tpu.memory_space<vmem>>
    %dma_start3A_41 = tpu.memref_slice %arg3[%add3A_23] : memref<524288xi32, #tpu.memory_space<hbm>> -> memref<128xi32, #tpu.memory_space<hbm>>
    tpu.enqueue_dma source(%dma_start3A_41 : memref<128xi32, #tpu.memory_space<hbm>>) target(%dma_start3A_40 : memref<128xi32, #tpu.memory_space<vmem>>) target_semaphore(%arg13 : memref<!tpu.dma_semaphore, #tpu.memory_space<semaphore_mem>>)
    %dma_wait3A = arith.constant 0 : i32
    %dma_wait3A_42 = arith.constant 0 : i32
    %dma_wait3A_43 = tpu.memref_slice %arg7[%dma_wait3A, %dma_wait3A_42] : memref<2x128xi32, #tpu.memory_space<vmem>> -> memref<1x128xi32, #tpu.memory_space<vmem>>
    %dma_wait3A_44 = tpu.memref_squeeze %dma_wait3A_43 : memref<1x128xi32, #tpu.memory_space<vmem>> -> memref<128xi32, #tpu.memory_space<vmem>>
    %dma_wait3A_45 = arith.constant 0 : i32
    %dma_wait3A_46 = tpu.memref_slice %arg2[%dma_wait3A_45] : memref<524288xi32, #tpu.memory_space<hbm>> -> memref<128xi32, #tpu.memory_space<hbm>>
    %dma_wait3A_47 = arith.constant 0 : i32
    %dma_wait3A_48 = tpu.memref_slice %arg7[%dma_wait3A, %dma_wait3A_47] : memref<2x128xi32, #tpu.memory_space<vmem>> -> memref<1x128xi32, #tpu.memory_space<vmem>>
    %dma_wait3A_49 = tpu.memref_squeeze %dma_wait3A_48 : memref<1x128xi32, #tpu.memory_space<vmem>> -> memref<128xi32, #tpu.memory_space<vmem>>
    %dma_wait3A_50 = arith.constant 0 : i32
    %dma_wait3A_51 = tpu.memref_slice %arg2[%dma_wait3A_50] : memref<524288xi32, #tpu.memory_space<hbm>> -> memref<128xi32, #tpu.memory_space<hbm>>
    tpu.wait_dma2 semaphore(%arg12 : memref<!tpu.dma_semaphore, #tpu.memory_space<semaphore_mem>>) src(%dma_wait3A_51 : memref<128xi32, #tpu.memory_space<hbm>>) dst(%dma_wait3A_49 : memref<128xi32, #tpu.memory_space<vmem>>)
    %dma_wait3A_52 = arith.constant 0 : i32
    %dma_wait3A_53 = arith.constant 0 : i32
    %dma_wait3A_54 = tpu.memref_slice %arg8[%dma_wait3A_52, %dma_wait3A_53] : memref<2x128xi32, #tpu.memory_space<vmem>> -> memref<1x128xi32, #tpu.memory_space<vmem>>
    %dma_wait3A_55 = tpu.memref_squeeze %dma_wait3A_54 : memref<1x128xi32, #tpu.memory_space<vmem>> -> memref<128xi32, #tpu.memory_space<vmem>>
    %dma_wait3A_56 = arith.constant 0 : i32
    %dma_wait3A_57 = tpu.memref_slice %arg3[%dma_wait3A_56] : memref<524288xi32, #tpu.memory_space<hbm>> -> memref<128xi32, #tpu.memory_space<hbm>>
    %dma_wait3A_58 = arith.constant 0 : i32
    %dma_wait3A_59 = tpu.memref_slice %arg8[%dma_wait3A_52, %dma_wait3A_58] : memref<2x128xi32, #tpu.memory_space<vmem>> -> memref<1x128xi32, #tpu.memory_space<vmem>>
    %dma_wait3A_60 = tpu.memref_squeeze %dma_wait3A_59 : memref<1x128xi32, #tpu.memory_space<vmem>> -> memref<128xi32, #tpu.memory_space<vmem>>
    %dma_wait3A_61 = arith.constant 0 : i32
    %dma_wait3A_62 = tpu.memref_slice %arg3[%dma_wait3A_61] : memref<524288xi32, #tpu.memory_space<hbm>> -> memref<128xi32, #tpu.memory_space<hbm>>
    tpu.wait_dma2 semaphore(%arg12 : memref<!tpu.dma_semaphore, #tpu.memory_space<semaphore_mem>>) src(%dma_wait3A_62 : memref<128xi32, #tpu.memory_space<hbm>>) dst(%dma_wait3A_60 : memref<128xi32, #tpu.memory_space<vmem>>)
    %dma_start3A_63 = arith.constant 0 : i32
    %dma_start3A_64 = arith.constant 0 : i32
    %dma_start3A_65 = arith.constant 0 : i32
    %dma_start3A_66 = arith.constant 0 : i32
    %dma_start3A_67 = tpu.memref_slice %arg9[%dma_start3A_64, %dma_start3A_65, %dma_start3A_66] : memref<2x128x128xf32, #tpu.memory_space<vmem>> -> memref<1x128x128xf32, #tpu.memory_space<vmem>>
    %dma_start3A_68 = tpu.memref_squeeze %dma_start3A_67 : memref<1x128x128xf32, #tpu.memory_space<vmem>> -> memref<128x128xf32, #tpu.memory_space<vmem>>
    %dma_start3A_69 = arith.constant 0 : i32
    %dma_start3A_70 = tpu.memref_slice %arg7[%dma_start3A_63, %dma_start3A_69] : memref<2x128xi32, #tpu.memory_space<vmem>> -> memref<1x128xi32, #tpu.memory_space<vmem>>
    %dma_start3A_71 = tpu.memref_squeeze %dma_start3A_70 : memref<1x128xi32, #tpu.memory_space<vmem>> -> memref<128xi32, #tpu.memory_space<vmem>>
    %dma_start3A_72 = arith.constant 0 : i32
    %dma_start3A_73 = arith.constant 0 : i32
    %dma_start3A_74 = tpu.memref_slice %arg4[%dma_start3A_72, %dma_start3A_73] : memref<100000x128xf32, #tpu.memory_space<hbm>> -> memref<100000x128xf32, #tpu.memory_space<hbm>>
    tpu.enqueue_indirect_dma source(%dma_start3A_74 : memref<100000x128xf32, #tpu.memory_space<hbm>>) target(%dma_start3A_68 : memref<128x128xf32, #tpu.memory_space<vmem>>) offsets(%dma_start3A_71 : memref<128xi32, #tpu.memory_space<vmem>>) semaphore(%arg14 : memref<!tpu.dma_semaphore, #tpu.memory_space<semaphore_mem>>)
    %dma_start3A_75 = arith.constant 0 : i32
    %dma_start3A_76 = arith.constant 0 : i32
    %dma_start3A_77 = arith.constant 0 : i32
    %dma_start3A_78 = arith.constant 0 : i32
    %dma_start3A_79 = tpu.memref_slice %arg10[%dma_start3A_76, %dma_start3A_77, %dma_start3A_78] : memref<2x128x128xf32, #tpu.memory_space<vmem>> -> memref<1x128x128xf32, #tpu.memory_space<vmem>>
    %dma_start3A_80 = tpu.memref_squeeze %dma_start3A_79 : memref<1x128x128xf32, #tpu.memory_space<vmem>> -> memref<128x128xf32, #tpu.memory_space<vmem>>
    %dma_start3A_81 = arith.constant 0 : i32
    %dma_start3A_82 = tpu.memref_slice %arg8[%dma_start3A_75, %dma_start3A_81] : memref<2x128xi32, #tpu.memory_space<vmem>> -> memref<1x128xi32, #tpu.memory_space<vmem>>
    %dma_start3A_83 = tpu.memref_squeeze %dma_start3A_82 : memref<1x128xi32, #tpu.memory_space<vmem>> -> memref<128xi32, #tpu.memory_space<vmem>>
    %dma_start3A_84 = arith.constant 0 : i32
    %dma_start3A_85 = arith.constant 0 : i32
    %dma_start3A_86 = tpu.memref_slice %arg5[%dma_start3A_84, %dma_start3A_85] : memref<513x128xf32, #tpu.memory_space<hbm>> -> memref<513x128xf32, #tpu.memory_space<hbm>>
    tpu.enqueue_indirect_dma source(%dma_start3A_86 : memref<513x128xf32, #tpu.memory_space<hbm>>) target(%dma_start3A_80 : memref<128x128xf32, #tpu.memory_space<vmem>>) offsets(%dma_start3A_83 : memref<128xi32, #tpu.memory_space<vmem>>) semaphore(%arg16 : memref<!tpu.dma_semaphore, #tpu.memory_space<semaphore_mem>>)
    %dma_wait3A_87 = arith.constant 1 : i32
    %dma_wait3A_88 = arith.constant 0 : i32
    %dma_wait3A_89 = tpu.memref_slice %arg7[%dma_wait3A_87, %dma_wait3A_88] : memref<2x128xi32, #tpu.memory_space<vmem>> -> memref<1x128xi32, #tpu.memory_space<vmem>>
    %dma_wait3A_90 = tpu.memref_squeeze %dma_wait3A_89 : memref<1x128xi32, #tpu.memory_space<vmem>> -> memref<128xi32, #tpu.memory_space<vmem>>
    %dma_wait3A_91 = arith.constant 0 : i32
    %dma_wait3A_92 = tpu.memref_slice %arg2[%dma_wait3A_91] : memref<524288xi32, #tpu.memory_space<hbm>> -> memref<128xi32, #tpu.memory_space<hbm>>
    %dma_wait3A_93 = arith.constant 0 : i32
    %dma_wait3A_94 = tpu.memref_slice %arg7[%dma_wait3A_87, %dma_wait3A_93] : memref<2x128xi32, #tpu.memory_space<vmem>> -> memref<1x128xi32, #tpu.memory_space<vmem>>
    %dma_wait3A_95 = tpu.memref_squeeze %dma_wait3A_94 : memref<1x128xi32, #tpu.memory_space<vmem>> -> memref<128xi32, #tpu.memory_space<vmem>>
    %dma_wait3A_96 = arith.constant 0 : i32
    %dma_wait3A_97 = tpu.memref_slice %arg2[%dma_wait3A_96] : memref<524288xi32, #tpu.memory_space<hbm>> -> memref<128xi32, #tpu.memory_space<hbm>>
    tpu.wait_dma2 semaphore(%arg13 : memref<!tpu.dma_semaphore, #tpu.memory_space<semaphore_mem>>) src(%dma_wait3A_97 : memref<128xi32, #tpu.memory_space<hbm>>) dst(%dma_wait3A_95 : memref<128xi32, #tpu.memory_space<vmem>>)
    %dma_wait3A_98 = arith.constant 1 : i32
    %dma_wait3A_99 = arith.constant 0 : i32
    %dma_wait3A_100 = tpu.memref_slice %arg8[%dma_wait3A_98, %dma_wait3A_99] : memref<2x128xi32, #tpu.memory_space<vmem>> -> memref<1x128xi32, #tpu.memory_space<vmem>>
    %dma_wait3A_101 = tpu.memref_squeeze %dma_wait3A_100 : memref<1x128xi32, #tpu.memory_space<vmem>> -> memref<128xi32, #tpu.memory_space<vmem>>
    %dma_wait3A_102 = arith.constant 0 : i32
    %dma_wait3A_103 = tpu.memref_slice %arg3[%dma_wait3A_102] : memref<524288xi32, #tpu.memory_space<hbm>> -> memref<128xi32, #tpu.memory_space<hbm>>
    %dma_wait3A_104 = arith.constant 0 : i32
    %dma_wait3A_105 = tpu.memref_slice %arg8[%dma_wait3A_98, %dma_wait3A_104] : memref<2x128xi32, #tpu.memory_space<vmem>> -> memref<1x128xi32, #tpu.memory_space<vmem>>
    %dma_wait3A_106 = tpu.memref_squeeze %dma_wait3A_105 : memref<1x128xi32, #tpu.memory_space<vmem>> -> memref<128xi32, #tpu.memory_space<vmem>>
    %dma_wait3A_107 = arith.constant 0 : i32
    %dma_wait3A_108 = tpu.memref_slice %arg3[%dma_wait3A_107] : memref<524288xi32, #tpu.memory_space<hbm>> -> memref<128xi32, #tpu.memory_space<hbm>>
    tpu.wait_dma2 semaphore(%arg13 : memref<!tpu.dma_semaphore, #tpu.memory_space<semaphore_mem>>) src(%dma_wait3A_108 : memref<128xi32, #tpu.memory_space<hbm>>) dst(%dma_wait3A_106 : memref<128xi32, #tpu.memory_space<vmem>>)
    %dma_start3A_109 = arith.constant 1 : i32
    %dma_start3A_110 = arith.constant 1 : i32
    %dma_start3A_111 = arith.constant 0 : i32
    %dma_start3A_112 = arith.constant 0 : i32
    %dma_start3A_113 = tpu.memref_slice %arg9[%dma_start3A_110, %dma_start3A_111, %dma_start3A_112] : memref<2x128x128xf32, #tpu.memory_space<vmem>> -> memref<1x128x128xf32, #tpu.memory_space<vmem>>
    %dma_start3A_114 = tpu.memref_squeeze %dma_start3A_113 : memref<1x128x128xf32, #tpu.memory_space<vmem>> -> memref<128x128xf32, #tpu.memory_space<vmem>>
    %dma_start3A_115 = arith.constant 0 : i32
    %dma_start3A_116 = tpu.memref_slice %arg7[%dma_start3A_109, %dma_start3A_115] : memref<2x128xi32, #tpu.memory_space<vmem>> -> memref<1x128xi32, #tpu.memory_space<vmem>>
    %dma_start3A_117 = tpu.memref_squeeze %dma_start3A_116 : memref<1x128xi32, #tpu.memory_space<vmem>> -> memref<128xi32, #tpu.memory_space<vmem>>
    %dma_start3A_118 = arith.constant 0 : i32
    %dma_start3A_119 = arith.constant 0 : i32
    %dma_start3A_120 = tpu.memref_slice %arg4[%dma_start3A_118, %dma_start3A_119] : memref<100000x128xf32, #tpu.memory_space<hbm>> -> memref<100000x128xf32, #tpu.memory_space<hbm>>
    tpu.enqueue_indirect_dma source(%dma_start3A_120 : memref<100000x128xf32, #tpu.memory_space<hbm>>) target(%dma_start3A_114 : memref<128x128xf32, #tpu.memory_space<vmem>>) offsets(%dma_start3A_117 : memref<128xi32, #tpu.memory_space<vmem>>) semaphore(%arg15 : memref<!tpu.dma_semaphore, #tpu.memory_space<semaphore_mem>>)
    %dma_start3A_121 = arith.constant 1 : i32
    %dma_start3A_122 = arith.constant 1 : i32
    %dma_start3A_123 = arith.constant 0 : i32
    %dma_start3A_124 = arith.constant 0 : i32
    %dma_start3A_125 = tpu.memref_slice %arg10[%dma_start3A_122, %dma_start3A_123, %dma_start3A_124] : memref<2x128x128xf32, #tpu.memory_space<vmem>> -> memref<1x128x128xf32, #tpu.memory_space<vmem>>
    %dma_start3A_126 = tpu.memref_squeeze %dma_start3A_125 : memref<1x128x128xf32, #tpu.memory_space<vmem>> -> memref<128x128xf32, #tpu.memory_space<vmem>>
    %dma_start3A_127 = arith.constant 0 : i32
    %dma_start3A_128 = tpu.memref_slice %arg8[%dma_start3A_121, %dma_start3A_127] : memref<2x128xi32, #tpu.memory_space<vmem>> -> memref<1x128xi32, #tpu.memory_space<vmem>>
    %dma_start3A_129 = tpu.memref_squeeze %dma_start3A_128 : memref<1x128xi32, #tpu.memory_space<vmem>> -> memref<128xi32, #tpu.memory_space<vmem>>
    %dma_start3A_130 = arith.constant 0 : i32
    %dma_start3A_131 = arith.constant 0 : i32
    %dma_start3A_132 = tpu.memref_slice %arg5[%dma_start3A_130, %dma_start3A_131] : memref<513x128xf32, #tpu.memory_space<hbm>> -> memref<513x128xf32, #tpu.memory_space<hbm>>
    tpu.enqueue_indirect_dma source(%dma_start3A_132 : memref<513x128xf32, #tpu.memory_space<hbm>>) target(%dma_start3A_126 : memref<128x128xf32, #tpu.memory_space<vmem>>) offsets(%dma_start3A_129 : memref<128xi32, #tpu.memory_space<vmem>>) semaphore(%arg17 : memref<!tpu.dma_semaphore, #tpu.memory_space<semaphore_mem>>)
    %scan3A = arith.constant 0 : i32
    %scan3A_133 = arith.constant 0 : i32
    %scan3A_134 = arith.constant 64 : i32
    %scan3A_135 = arith.addi %scan3A_133, %scan3A_134 : i32
    %scan3A_136 = arith.constant 1 : i32
    %scan3A_137 = scf.for %scan3A_169 = %scan3A_133 to %scan3A_135 step %scan3A_136 iter_args(%scan3A_170 = %scan3A) -> (i32)  : i32 {
      %mul3A_171 = arith.constant 2 : i32
      %mul3A_172 = arith.muli %mul3A_171, %scan3A_169 : i32
      %add3A_173 = arith.constant 0 : i32
      %add3A_174 = arith.addi %mul3A_172, %add3A_173 : i32
      %dma_wait3A_175 = arith.constant 0 : i32
      %dma_wait3A_176 = arith.constant 0 : i32
      %dma_wait3A_177 = arith.constant 0 : i32
      %dma_wait3A_178 = arith.constant 0 : i32
      %dma_wait3A_179 = tpu.memref_slice %arg9[%dma_wait3A_176, %dma_wait3A_177, %dma_wait3A_178] : memref<2x128x128xf32, #tpu.memory_space<vmem>> -> memref<1x128x128xf32, #tpu.memory_space<vmem>>
      %dma_wait3A_180 = tpu.memref_squeeze %dma_wait3A_179 : memref<1x128x128xf32, #tpu.memory_space<vmem>> -> memref<128x128xf32, #tpu.memory_space<vmem>>
      %dma_wait3A_181 = arith.constant 0 : i32
      %dma_wait3A_182 = tpu.memref_slice %arg7[%dma_wait3A_175, %dma_wait3A_181] : memref<2x128xi32, #tpu.memory_space<vmem>> -> memref<1x128xi32, #tpu.memory_space<vmem>>
      %dma_wait3A_183 = tpu.memref_squeeze %dma_wait3A_182 : memref<1x128xi32, #tpu.memory_space<vmem>> -> memref<128xi32, #tpu.memory_space<vmem>>
      %dma_wait3A_184 = arith.constant 0 : i32
      %dma_wait3A_185 = arith.constant 0 : i32
      %dma_wait3A_186 = tpu.memref_slice %arg4[%dma_wait3A_184, %dma_wait3A_185] : memref<100000x128xf32, #tpu.memory_space<hbm>> -> memref<100000x128xf32, #tpu.memory_space<hbm>>
      tpu.wait_indirect_dma semaphore(%arg14 : memref<!tpu.dma_semaphore, #tpu.memory_space<semaphore_mem>>) src(%dma_wait3A_186 : memref<100000x128xf32, #tpu.memory_space<hbm>>) dst(%dma_wait3A_180 : memref<128x128xf32, #tpu.memory_space<vmem>>)
      %dma_wait3A_187 = arith.constant 0 : i32
      %dma_wait3A_188 = arith.constant 0 : i32
      %dma_wait3A_189 = arith.constant 0 : i32
      %dma_wait3A_190 = arith.constant 0 : i32
      %dma_wait3A_191 = tpu.memref_slice %arg10[%dma_wait3A_188, %dma_wait3A_189, %dma_wait3A_190] : memref<2x128x128xf32, #tpu.memory_space<vmem>> -> memref<1x128x128xf32, #tpu.memory_space<vmem>>
      %dma_wait3A_192 = tpu.memref_squeeze %dma_wait3A_191 : memref<1x128x128xf32, #tpu.memory_space<vmem>> -> memref<128x128xf32, #tpu.memory_space<vmem>>
      %dma_wait3A_193 = arith.constant 0 : i32
      %dma_wait3A_194 = tpu.memref_slice %arg8[%dma_wait3A_187, %dma_wait3A_193] : memref<2x128xi32, #tpu.memory_space<vmem>> -> memref<1x128xi32, #tpu.memory_space<vmem>>
      %dma_wait3A_195 = tpu.memref_squeeze %dma_wait3A_194 : memref<1x128xi32, #tpu.memory_space<vmem>> -> memref<128xi32, #tpu.memory_space<vmem>>
      %dma_wait3A_196 = arith.constant 0 : i32
      %dma_wait3A_197 = arith.constant 0 : i32
      %dma_wait3A_198 = tpu.memref_slice %arg5[%dma_wait3A_196, %dma_wait3A_197] : memref<513x128xf32, #tpu.memory_space<hbm>> -> memref<513x128xf32, #tpu.memory_space<hbm>>
      tpu.wait_indirect_dma semaphore(%arg16 : memref<!tpu.dma_semaphore, #tpu.memory_space<semaphore_mem>>) src(%dma_wait3A_198 : memref<513x128xf32, #tpu.memory_space<hbm>>) dst(%dma_wait3A_192 : memref<128x128xf32, #tpu.memory_space<vmem>>)
      %lt3A = arith.constant 63 : i32
      %lt3A_199 = arith.cmpi slt, %scan3A_169, %lt3A : i32
      %convert_element_type3A = arith.extui %lt3A_199 : i1 to i32
      %cond3A = arith.constant 0 : i32
      %cond3A_200 = arith.cmpi ne, %convert_element_type3A, %cond3A : i32
      scf.if %cond3A_200 {
        %add3A_291 = arith.constant 2 : i32
        %add3A_292 = arith.addi %add3A_174, %add3A_291 : i32
        %mul3A_293 = arith.constant 128 : i32
        %mul3A_294 = arith.muli %add3A_292, %mul3A_293 : i32
        %add3A_295 = arith.addi %mul3A_2, %mul3A_294 : i32
        %dma_start3A_296 = arith.constant 0 : i32
        %dma_start3A_297 = arith.constant 0 : i32
        %dma_start3A_298 = tpu.memref_slice %arg7[%dma_start3A_296, %dma_start3A_297] : memref<2x128xi32, #tpu.memory_space<vmem>> -> memref<1x128xi32, #tpu.memory_space<vmem>>
        %dma_start3A_299 = tpu.memref_squeeze %dma_start3A_298 : memref<1x128xi32, #tpu.memory_space<vmem>> -> memref<128xi32, #tpu.memory_space<vmem>>
        %dma_start3A_300 = tpu.memref_slice %arg2[%add3A_295] : memref<524288xi32, #tpu.memory_space<hbm>> -> memref<128xi32, #tpu.memory_space<hbm>>
        %dma_start3A_301 = arith.constant 0 : i32
        %dma_start3A_302 = tpu.memref_slice %arg7[%dma_start3A_296, %dma_start3A_301] : memref<2x128xi32, #tpu.memory_space<vmem>> -> memref<1x128xi32, #tpu.memory_space<vmem>>
        %dma_start3A_303 = tpu.memref_squeeze %dma_start3A_302 : memref<1x128xi32, #tpu.memory_space<vmem>> -> memref<128xi32, #tpu.memory_space<vmem>>
        %dma_start3A_304 = tpu.memref_slice %arg2[%add3A_295] : memref<524288xi32, #tpu.memory_space<hbm>> -> memref<128xi32, #tpu.memory_space<hbm>>
        tpu.enqueue_dma source(%dma_start3A_304 : memref<128xi32, #tpu.memory_space<hbm>>) target(%dma_start3A_303 : memref<128xi32, #tpu.memory_space<vmem>>) target_semaphore(%arg12 : memref<!tpu.dma_semaphore, #tpu.memory_space<semaphore_mem>>)
        %dma_start3A_305 = arith.constant 0 : i32
        %dma_start3A_306 = arith.constant 0 : i32
        %dma_start3A_307 = tpu.memref_slice %arg8[%dma_start3A_305, %dma_start3A_306] : memref<2x128xi32, #tpu.memory_space<vmem>> -> memref<1x128xi32, #tpu.memory_space<vmem>>
        %dma_start3A_308 = tpu.memref_squeeze %dma_start3A_307 : memref<1x128xi32, #tpu.memory_space<vmem>> -> memref<128xi32, #tpu.memory_space<vmem>>
        %dma_start3A_309 = tpu.memref_slice %arg3[%add3A_295] : memref<524288xi32, #tpu.memory_space<hbm>> -> memref<128xi32, #tpu.memory_space<hbm>>
        %dma_start3A_310 = arith.constant 0 : i32
        %dma_start3A_311 = tpu.memref_slice %arg8[%dma_start3A_305, %dma_start3A_310] : memref<2x128xi32, #tpu.memory_space<vmem>> -> memref<1x128xi32, #tpu.memory_space<vmem>>
        %dma_start3A_312 = tpu.memref_squeeze %dma_start3A_311 : memref<1x128xi32, #tpu.memory_space<vmem>> -> memref<128xi32, #tpu.memory_space<vmem>>
        %dma_start3A_313 = tpu.memref_slice %arg3[%add3A_295] : memref<524288xi32, #tpu.memory_space<hbm>> -> memref<128xi32, #tpu.memory_space<hbm>>
        tpu.enqueue_dma source(%dma_start3A_313 : memref<128xi32, #tpu.memory_space<hbm>>) target(%dma_start3A_312 : memref<128xi32, #tpu.memory_space<vmem>>) target_semaphore(%arg12 : memref<!tpu.dma_semaphore, #tpu.memory_space<semaphore_mem>>)
      } else {
      }
      %gt3A = arith.constant 0 : i32
      %gt3A_201 = arith.cmpi sgt, %scan3A_169, %gt3A : i32
      %convert_element_type3A_202 = arith.extui %gt3A_201 : i1 to i32
      %cond3A_203 = arith.constant 0 : i32
      %cond3A_204 = arith.cmpi ne, %convert_element_type3A_202, %cond3A_203 : i32
      scf.if %cond3A_204 {
        %dma_wait3A_291 = arith.constant 0 : i32
        %dma_wait3A_292 = arith.constant 0 : i32
        %dma_wait3A_293 = arith.constant 0 : i32
        %dma_wait3A_294 = tpu.memref_slice %arg11[%dma_wait3A_291, %dma_wait3A_292, %dma_wait3A_293] : memref<2x128x128xf32, #tpu.memory_space<vmem>> -> memref<1x128x128xf32, #tpu.memory_space<vmem>>
        %dma_wait3A_295 = tpu.memref_squeeze %dma_wait3A_294 : memref<1x128x128xf32, #tpu.memory_space<vmem>> -> memref<128x128xf32, #tpu.memory_space<vmem>>
        %dma_wait3A_296 = arith.constant 0 : i32
        %dma_wait3A_297 = arith.constant 0 : i32
        %dma_wait3A_298 = tpu.memref_slice %arg6[%dma_wait3A_296, %dma_wait3A_297] : memref<524288x128xf32, #tpu.memory_space<hbm>> -> memref<128x128xf32, #tpu.memory_space<hbm>>
        %dma_wait3A_299 = arith.constant 0 : i32
        %dma_wait3A_300 = arith.constant 0 : i32
        %dma_wait3A_301 = tpu.memref_slice %arg6[%dma_wait3A_299, %dma_wait3A_300] : memref<524288x128xf32, #tpu.memory_space<hbm>> -> memref<128x128xf32, #tpu.memory_space<hbm>>
        %dma_wait3A_302 = arith.constant 0 : i32
        %dma_wait3A_303 = arith.constant 0 : i32
        %dma_wait3A_304 = tpu.memref_slice %arg11[%dma_wait3A_291, %dma_wait3A_302, %dma_wait3A_303] : memref<2x128x128xf32, #tpu.memory_space<vmem>> -> memref<1x128x128xf32, #tpu.memory_space<vmem>>
        %dma_wait3A_305 = tpu.memref_squeeze %dma_wait3A_304 : memref<1x128x128xf32, #tpu.memory_space<vmem>> -> memref<128x128xf32, #tpu.memory_space<vmem>>
        tpu.wait_dma2 semaphore(%arg18 : memref<!tpu.dma_semaphore, #tpu.memory_space<semaphore_mem>>) src(%dma_wait3A_305 : memref<128x128xf32, #tpu.memory_space<vmem>>) dst(%dma_wait3A_301 : memref<128x128xf32, #tpu.memory_space<hbm>>)
      } else {
      }
      %parallel_loop3A = arith.constant 0 : i32
      %parallel_loop3A_205 = arith.constant 128 : i32
      %parallel_loop3A_206 = arith.constant 1 : i32
      scf.for %parallel_loop3A_291 = %parallel_loop3A to %parallel_loop3A_205 step %parallel_loop3A_206  : i32 {
        %parallel_loop3A_292 = arith.constant 0 : i32
        %parallel_loop3A_293 = arith.index_cast %parallel_loop3A_292 : i32 to index
        %parallel_loop3A_294 = arith.index_cast %parallel_loop3A_291 : i32 to index
        %parallel_loop3A_295 = arith.constant 0 : index
        %parallel_loop3A_296 = tpu.vector_load %arg9[%parallel_loop3A_293, %parallel_loop3A_294, %parallel_loop3A_295] {strides = array<i32>} : memref<2x128x128xf32, #tpu.memory_space<vmem>>, vector<1x1x16xf32>,
        %parallel_loop3A_297 = vector.shape_cast %parallel_loop3A_296 : vector<1x1x16xf32> to vector<16xf32>
        %parallel_loop3A_298 = arith.constant 0 : i32
        %parallel_loop3A_299 = arith.index_cast %parallel_loop3A_298 : i32 to index
        %parallel_loop3A_300 = arith.index_cast %parallel_loop3A_291 : i32 to index
        %parallel_loop3A_301 = arith.constant 0 : index
        %parallel_loop3A_302 = tpu.vector_load %arg10[%parallel_loop3A_299, %parallel_loop3A_300, %parallel_loop3A_301] {strides = array<i32>} : memref<2x128x128xf32, #tpu.memory_space<vmem>>, vector<1x1x16xf32>,
        %parallel_loop3A_303 = vector.shape_cast %parallel_loop3A_302 : vector<1x1x16xf32> to vector<16xf32>
        %parallel_loop3A_304 = arith.addf %parallel_loop3A_297, %parallel_loop3A_303 : vector<16xf32>
        %parallel_loop3A_305 = arith.constant 0 : i32
        %parallel_loop3A_306 = arith.index_cast %parallel_loop3A_305 : i32 to index
        %parallel_loop3A_307 = arith.index_cast %parallel_loop3A_291 : i32 to index
        %parallel_loop3A_308 = arith.constant 0 : index
        %parallel_loop3A_309 = tpu.vector_load %arg11[%parallel_loop3A_306, %parallel_loop3A_307, %parallel_loop3A_308] {strides = array<i32>} : memref<2x128x128xf32, #tpu.memory_space<vmem>>, vector<1x1x16xf32>,
        %parallel_loop3A_310 = vector.shape_cast %parallel_loop3A_309 : vector<1x1x16xf32> to vector<16xf32>
        %parallel_loop3A_311 = vector.shape_cast %parallel_loop3A_304 : vector<16xf32> to vector<1x1x16xf32>
        tpu.vector_store %arg11[%parallel_loop3A_306, %parallel_loop3A_307, %parallel_loop3A_308], %parallel_loop3A_311 {strides = array<i32>} : memref<2x128x128xf32, #tpu.memory_space<vmem>>, vector<1x1x16xf32>,
        %parallel_loop3A_312 = arith.constant 0 : i32
        %parallel_loop3A_313 = arith.index_cast %parallel_loop3A_312 : i32 to index
        %parallel_loop3A_314 = arith.index_cast %parallel_loop3A_291 : i32 to index
        %parallel_loop3A_315 = arith.constant 16 : index
        %parallel_loop3A_316 = tpu.vector_load %arg9[%parallel_loop3A_313, %parallel_loop3A_314, %parallel_loop3A_315] {strides = array<i32>} : memref<2x128x128xf32, #tpu.memory_space<vmem>>, vector<1x1x16xf32>,
        %parallel_loop3A_317 = vector.shape_cast %parallel_loop3A_316 : vector<1x1x16xf32> to vector<16xf32>
        %parallel_loop3A_318 = arith.constant 0 : i32
        %parallel_loop3A_319 = arith.index_cast %parallel_loop3A_318 : i32 to index
        %parallel_loop3A_320 = arith.index_cast %parallel_loop3A_291 : i32 to index
        %parallel_loop3A_321 = arith.constant 16 : index
        %parallel_loop3A_322 = tpu.vector_load %arg10[%parallel_loop3A_319, %parallel_loop3A_320, %parallel_loop3A_321] {strides = array<i32>} : memref<2x128x128xf32, #tpu.memory_space<vmem>>, vector<1x1x16xf32>,
        %parallel_loop3A_323 = vector.shape_cast %parallel_loop3A_322 : vector<1x1x16xf32> to vector<16xf32>
        %parallel_loop3A_324 = arith.addf %parallel_loop3A_317, %parallel_loop3A_323 : vector<16xf32>
        %parallel_loop3A_325 = arith.constant 0 : i32
        %parallel_loop3A_326 = arith.index_cast %parallel_loop3A_325 : i32 to index
        %parallel_loop3A_327 = arith.index_cast %parallel_loop3A_291 : i32 to index
        %parallel_loop3A_328 = arith.constant 16 : index
        %parallel_loop3A_329 = tpu.vector_load %arg11[%parallel_loop3A_326, %parallel_loop3A_327, %parallel_loop3A_328] {strides = array<i32>} : memref<2x128x128xf32, #tpu.memory_space<vmem>>, vector<1x1x16xf32>,
        %parallel_loop3A_330 = vector.shape_cast %parallel_loop3A_329 : vector<1x1x16xf32> to vector<16xf32>
        %parallel_loop3A_331 = vector.shape_cast %parallel_loop3A_324 : vector<16xf32> to vector<1x1x16xf32>
        tpu.vector_store %arg11[%parallel_loop3A_326, %parallel_loop3A_327, %parallel_loop3A_328], %parallel_loop3A_331 {strides = array<i32>} : memref<2x128x128xf32, #tpu.memory_space<vmem>>, vector<1x1x16xf32>,
        %parallel_loop3A_332 = arith.constant 0 : i32
        %parallel_loop3A_333 = arith.index_cast %parallel_loop3A_332 : i32 to index
        %parallel_loop3A_334 = arith.index_cast %parallel_loop3A_291 : i32 to index
        %parallel_loop3A_335 = arith.constant 32 : index
        %parallel_loop3A_336 = tpu.vector_load %arg9[%parallel_loop3A_333, %parallel_loop3A_334, %parallel_loop3A_335] {strides = array<i32>} : memref<2x128x128xf32, #tpu.memory_space<vmem>>, vector<1x1x16xf32>,
        %parallel_loop3A_337 = vector.shape_cast %parallel_loop3A_336 : vector<1x1x16xf32> to vector<16xf32>
        %parallel_loop3A_338 = arith.constant 0 : i32
        %parallel_loop3A_339 = arith.index_cast %parallel_loop3A_338 : i32 to index
        %parallel_loop3A_340 = arith.index_cast %parallel_loop3A_291 : i32 to index
        %parallel_loop3A_341 = arith.constant 32 : index
        %parallel_loop3A_342 = tpu.vector_load %arg10[%parallel_loop3A_339, %parallel_loop3A_340, %parallel_loop3A_341] {strides = array<i32>} : memref<2x128x128xf32, #tpu.memory_space<vmem>>, vector<1x1x16xf32>,
        %parallel_loop3A_343 = vector.shape_cast %parallel_loop3A_342 : vector<1x1x16xf32> to vector<16xf32>
        %parallel_loop3A_344 = arith.addf %parallel_loop3A_337, %parallel_loop3A_343 : vector<16xf32>
        %parallel_loop3A_345 = arith.constant 0 : i32
        %parallel_loop3A_346 = arith.index_cast %parallel_loop3A_345 : i32 to index
        %parallel_loop3A_347 = arith.index_cast %parallel_loop3A_291 : i32 to index
        %parallel_loop3A_348 = arith.constant 32 : index
        %parallel_loop3A_349 = tpu.vector_load %arg11[%parallel_loop3A_346, %parallel_loop3A_347, %parallel_loop3A_348] {strides = array<i32>} : memref<2x128x128xf32, #tpu.memory_space<vmem>>, vector<1x1x16xf32>,
        %parallel_loop3A_350 = vector.shape_cast %parallel_loop3A_349 : vector<1x1x16xf32> to vector<16xf32>
        %parallel_loop3A_351 = vector.shape_cast %parallel_loop3A_344 : vector<16xf32> to vector<1x1x16xf32>
        tpu.vector_store %arg11[%parallel_loop3A_346, %parallel_loop3A_347, %parallel_loop3A_348], %parallel_loop3A_351 {strides = array<i32>} : memref<2x128x128xf32, #tpu.memory_space<vmem>>, vector<1x1x16xf32>,
        %parallel_loop3A_352 = arith.constant 0 : i32
        %parallel_loop3A_353 = arith.index_cast %parallel_loop3A_352 : i32 to index
        %parallel_loop3A_354 = arith.index_cast %parallel_loop3A_291 : i32 to index
        %parallel_loop3A_355 = arith.constant 48 : index
        %parallel_loop3A_356 = tpu.vector_load %arg9[%parallel_loop3A_353, %parallel_loop3A_354, %parallel_loop3A_355] {strides = array<i32>} : memref<2x128x128xf32, #tpu.memory_space<vmem>>, vector<1x1x16xf32>,
        %parallel_loop3A_357 = vector.shape_cast %parallel_loop3A_356 : vector<1x1x16xf32> to vector<16xf32>
        %parallel_loop3A_358 = arith.constant 0 : i32
        %parallel_loop3A_359 = arith.index_cast %parallel_loop3A_358 : i32 to index
        %parallel_loop3A_360 = arith.index_cast %parallel_loop3A_291 : i32 to index
        %parallel_loop3A_361 = arith.constant 48 : index
        %parallel_loop3A_362 = tpu.vector_load %arg10[%parallel_loop3A_359, %parallel_loop3A_360, %parallel_loop3A_361] {strides = array<i32>} : memref<2x128x128xf32, #tpu.memory_space<vmem>>, vector<1x1x16xf32>,
        %parallel_loop3A_363 = vector.shape_cast %parallel_loop3A_362 : vector<1x1x16xf32> to vector<16xf32>
        %parallel_loop3A_364 = arith.addf %parallel_loop3A_357, %parallel_loop3A_363 : vector<16xf32>
        %parallel_loop3A_365 = arith.constant 0 : i32
        %parallel_loop3A_366 = arith.index_cast %parallel_loop3A_365 : i32 to index
        %parallel_loop3A_367 = arith.index_cast %parallel_loop3A_291 : i32 to index
        %parallel_loop3A_368 = arith.constant 48 : index
        %parallel_loop3A_369 = tpu.vector_load %arg11[%parallel_loop3A_366, %parallel_loop3A_367, %parallel_loop3A_368] {strides = array<i32>} : memref<2x128x128xf32, #tpu.memory_space<vmem>>, vector<1x1x16xf32>,
        %parallel_loop3A_370 = vector.shape_cast %parallel_loop3A_369 : vector<1x1x16xf32> to vector<16xf32>
        %parallel_loop3A_371 = vector.shape_cast %parallel_loop3A_364 : vector<16xf32> to vector<1x1x16xf32>
        tpu.vector_store %arg11[%parallel_loop3A_366, %parallel_loop3A_367, %parallel_loop3A_368], %parallel_loop3A_371 {strides = array<i32>} : memref<2x128x128xf32, #tpu.memory_space<vmem>>, vector<1x1x16xf32>,
        %parallel_loop3A_372 = arith.constant 0 : i32
        %parallel_loop3A_373 = arith.index_cast %parallel_loop3A_372 : i32 to index
        %parallel_loop3A_374 = arith.index_cast %parallel_loop3A_291 : i32 to index
        %parallel_loop3A_375 = arith.constant 64 : index
        %parallel_loop3A_376 = tpu.vector_load %arg9[%parallel_loop3A_373, %parallel_loop3A_374, %parallel_loop3A_375] {strides = array<i32>} : memref<2x128x128xf32, #tpu.memory_space<vmem>>, vector<1x1x16xf32>,
        %parallel_loop3A_377 = vector.shape_cast %parallel_loop3A_376 : vector<1x1x16xf32> to vector<16xf32>
        %parallel_loop3A_378 = arith.constant 0 : i32
        %parallel_loop3A_379 = arith.index_cast %parallel_loop3A_378 : i32 to index
        %parallel_loop3A_380 = arith.index_cast %parallel_loop3A_291 : i32 to index
        %parallel_loop3A_381 = arith.constant 64 : index
        %parallel_loop3A_382 = tpu.vector_load %arg10[%parallel_loop3A_379, %parallel_loop3A_380, %parallel_loop3A_381] {strides = array<i32>} : memref<2x128x128xf32, #tpu.memory_space<vmem>>, vector<1x1x16xf32>,
        %parallel_loop3A_383 = vector.shape_cast %parallel_loop3A_382 : vector<1x1x16xf32> to vector<16xf32>
        %parallel_loop3A_384 = arith.addf %parallel_loop3A_377, %parallel_loop3A_383 : vector<16xf32>
        %parallel_loop3A_385 = arith.constant 0 : i32
        %parallel_loop3A_386 = arith.index_cast %parallel_loop3A_385 : i32 to index
        %parallel_loop3A_387 = arith.index_cast %parallel_loop3A_291 : i32 to index
        %parallel_loop3A_388 = arith.constant 64 : index
        %parallel_loop3A_389 = tpu.vector_load %arg11[%parallel_loop3A_386, %parallel_loop3A_387, %parallel_loop3A_388] {strides = array<i32>} : memref<2x128x128xf32, #tpu.memory_space<vmem>>, vector<1x1x16xf32>,
        %parallel_loop3A_390 = vector.shape_cast %parallel_loop3A_389 : vector<1x1x16xf32> to vector<16xf32>
        %parallel_loop3A_391 = vector.shape_cast %parallel_loop3A_384 : vector<16xf32> to vector<1x1x16xf32>
        tpu.vector_store %arg11[%parallel_loop3A_386, %parallel_loop3A_387, %parallel_loop3A_388], %parallel_loop3A_391 {strides = array<i32>} : memref<2x128x128xf32, #tpu.memory_space<vmem>>, vector<1x1x16xf32>,
        %parallel_loop3A_392 = arith.constant 0 : i32
        %parallel_loop3A_393 = arith.index_cast %parallel_loop3A_392 : i32 to index
        %parallel_loop3A_394 = arith.index_cast %parallel_loop3A_291 : i32 to index
        %parallel_loop3A_395 = arith.constant 80 : index
        %parallel_loop3A_396 = tpu.vector_load %arg9[%parallel_loop3A_393, %parallel_loop3A_394, %parallel_loop3A_395] {strides = array<i32>} : memref<2x128x128xf32, #tpu.memory_space<vmem>>, vector<1x1x16xf32>,
        %parallel_loop3A_397 = vector.shape_cast %parallel_loop3A_396 : vector<1x1x16xf32> to vector<16xf32>
        %parallel_loop3A_398 = arith.constant 0 : i32
        %parallel_loop3A_399 = arith.index_cast %parallel_loop3A_398 : i32 to index
        %parallel_loop3A_400 = arith.index_cast %parallel_loop3A_291 : i32 to index
        %parallel_loop3A_401 = arith.constant 80 : index
        %parallel_loop3A_402 = tpu.vector_load %arg10[%parallel_loop3A_399, %parallel_loop3A_400, %parallel_loop3A_401] {strides = array<i32>} : memref<2x128x128xf32, #tpu.memory_space<vmem>>, vector<1x1x16xf32>,
        %parallel_loop3A_403 = vector.shape_cast %parallel_loop3A_402 : vector<1x1x16xf32> to vector<16xf32>
        %parallel_loop3A_404 = arith.addf %parallel_loop3A_397, %parallel_loop3A_403 : vector<16xf32>
        %parallel_loop3A_405 = arith.constant 0 : i32
        %parallel_loop3A_406 = arith.index_cast %parallel_loop3A_405 : i32 to index
        %parallel_loop3A_407 = arith.index_cast %parallel_loop3A_291 : i32 to index
        %parallel_loop3A_408 = arith.constant 80 : index
        %parallel_loop3A_409 = tpu.vector_load %arg11[%parallel_loop3A_406, %parallel_loop3A_407, %parallel_loop3A_408] {strides = array<i32>} : memref<2x128x128xf32, #tpu.memory_space<vmem>>, vector<1x1x16xf32>,
        %parallel_loop3A_410 = vector.shape_cast %parallel_loop3A_409 : vector<1x1x16xf32> to vector<16xf32>
        %parallel_loop3A_411 = vector.shape_cast %parallel_loop3A_404 : vector<16xf32> to vector<1x1x16xf32>
        tpu.vector_store %arg11[%parallel_loop3A_406, %parallel_loop3A_407, %parallel_loop3A_408], %parallel_loop3A_411 {strides = array<i32>} : memref<2x128x128xf32, #tpu.memory_space<vmem>>, vector<1x1x16xf32>,
        %parallel_loop3A_412 = arith.constant 0 : i32
        %parallel_loop3A_413 = arith.index_cast %parallel_loop3A_412 : i32 to index
        %parallel_loop3A_414 = arith.index_cast %parallel_loop3A_291 : i32 to index
        %parallel_loop3A_415 = arith.constant 96 : index
        %parallel_loop3A_416 = tpu.vector_load %arg9[%parallel_loop3A_413, %parallel_loop3A_414, %parallel_loop3A_415] {strides = array<i32>} : memref<2x128x128xf32, #tpu.memory_space<vmem>>, vector<1x1x16xf32>,
        %parallel_loop3A_417 = vector.shape_cast %parallel_loop3A_416 : vector<1x1x16xf32> to vector<16xf32>
        %parallel_loop3A_418 = arith.constant 0 : i32
        %parallel_loop3A_419 = arith.index_cast %parallel_loop3A_418 : i32 to index
        %parallel_loop3A_420 = arith.index_cast %parallel_loop3A_291 : i32 to index
        %parallel_loop3A_421 = arith.constant 96 : index
        %parallel_loop3A_422 = tpu.vector_load %arg10[%parallel_loop3A_419, %parallel_loop3A_420, %parallel_loop3A_421] {strides = array<i32>} : memref<2x128x128xf32, #tpu.memory_space<vmem>>, vector<1x1x16xf32>,
        %parallel_loop3A_423 = vector.shape_cast %parallel_loop3A_422 : vector<1x1x16xf32> to vector<16xf32>
        %parallel_loop3A_424 = arith.addf %parallel_loop3A_417, %parallel_loop3A_423 : vector<16xf32>
        %parallel_loop3A_425 = arith.constant 0 : i32
        %parallel_loop3A_426 = arith.index_cast %parallel_loop3A_425 : i32 to index
        %parallel_loop3A_427 = arith.index_cast %parallel_loop3A_291 : i32 to index
        %parallel_loop3A_428 = arith.constant 96 : index
        %parallel_loop3A_429 = tpu.vector_load %arg11[%parallel_loop3A_426, %parallel_loop3A_427, %parallel_loop3A_428] {strides = array<i32>} : memref<2x128x128xf32, #tpu.memory_space<vmem>>, vector<1x1x16xf32>,
        %parallel_loop3A_430 = vector.shape_cast %parallel_loop3A_429 : vector<1x1x16xf32> to vector<16xf32>
        %parallel_loop3A_431 = vector.shape_cast %parallel_loop3A_424 : vector<16xf32> to vector<1x1x16xf32>
        tpu.vector_store %arg11[%parallel_loop3A_426, %parallel_loop3A_427, %parallel_loop3A_428], %parallel_loop3A_431 {strides = array<i32>} : memref<2x128x128xf32, #tpu.memory_space<vmem>>, vector<1x1x16xf32>,
        %parallel_loop3A_432 = arith.constant 0 : i32
        %parallel_loop3A_433 = arith.index_cast %parallel_loop3A_432 : i32 to index
        %parallel_loop3A_434 = arith.index_cast %parallel_loop3A_291 : i32 to index
        %parallel_loop3A_435 = arith.constant 112 : index
        %parallel_loop3A_436 = tpu.vector_load %arg9[%parallel_loop3A_433, %parallel_loop3A_434, %parallel_loop3A_435] {strides = array<i32>} : memref<2x128x128xf32, #tpu.memory_space<vmem>>, vector<1x1x16xf32>,
        %parallel_loop3A_437 = vector.shape_cast %parallel_loop3A_436 : vector<1x1x16xf32> to vector<16xf32>
        %parallel_loop3A_438 = arith.constant 0 : i32
        %parallel_loop3A_439 = arith.index_cast %parallel_loop3A_438 : i32 to index
        %parallel_loop3A_440 = arith.index_cast %parallel_loop3A_291 : i32 to index
        %parallel_loop3A_441 = arith.constant 112 : index
        %parallel_loop3A_442 = tpu.vector_load %arg10[%parallel_loop3A_439, %parallel_loop3A_440, %parallel_loop3A_441] {strides = array<i32>} : memref<2x128x128xf32, #tpu.memory_space<vmem>>, vector<1x1x16xf32>,
        %parallel_loop3A_443 = vector.shape_cast %parallel_loop3A_442 : vector<1x1x16xf32> to vector<16xf32>
        %parallel_loop3A_444 = arith.addf %parallel_loop3A_437, %parallel_loop3A_443 : vector<16xf32>
        %parallel_loop3A_445 = arith.constant 0 : i32
        %parallel_loop3A_446 = arith.index_cast %parallel_loop3A_445 : i32 to index
        %parallel_loop3A_447 = arith.index_cast %parallel_loop3A_291 : i32 to index
        %parallel_loop3A_448 = arith.constant 112 : index
        %parallel_loop3A_449 = tpu.vector_load %arg11[%parallel_loop3A_446, %parallel_loop3A_447, %parallel_loop3A_448] {strides = array<i32>} : memref<2x128x128xf32, #tpu.memory_space<vmem>>, vector<1x1x16xf32>,
        %parallel_loop3A_450 = vector.shape_cast %parallel_loop3A_449 : vector<1x1x16xf32> to vector<16xf32>
        %parallel_loop3A_451 = vector.shape_cast %parallel_loop3A_444 : vector<16xf32> to vector<1x1x16xf32>
        tpu.vector_store %arg11[%parallel_loop3A_446, %parallel_loop3A_447, %parallel_loop3A_448], %parallel_loop3A_451 {strides = array<i32>} : memref<2x128x128xf32, #tpu.memory_space<vmem>>, vector<1x1x16xf32>,
      } {sc.loop_unroll_factor = 2 : i64, sc.parallel_access}
      %mul3A_207 = arith.constant 128 : i32
      %mul3A_208 = arith.muli %add3A_174, %mul3A_207 : i32
      %add3A_209 = arith.addi %mul3A_2, %mul3A_208 : i32
      %dma_start3A_210 = arith.constant 0 : i32
      %dma_start3A_211 = arith.constant 0 : i32
      %dma_start3A_212 = arith.constant 0 : i32
      %dma_start3A_213 = tpu.memref_slice %arg11[%dma_start3A_210, %dma_start3A_211, %dma_start3A_212] : memref<2x128x128xf32, #tpu.memory_space<vmem>> -> memref<1x128x128xf32, #tpu.memory_space<vmem>>
      %dma_start3A_214 = tpu.memref_squeeze %dma_start3A_213 : memref<1x128x128xf32, #tpu.memory_space<vmem>> -> memref<128x128xf32, #tpu.memory_space<vmem>>
      %dma_start3A_215 = arith.constant 0 : i32
      %dma_start3A_216 = tpu.memref_slice %arg6[%add3A_209, %dma_start3A_215] : memref<524288x128xf32, #tpu.memory_space<hbm>> -> memref<128x128xf32, #tpu.memory_space<hbm>>
      %dma_start3A_217 = arith.constant 0 : i32
      %dma_start3A_218 = tpu.memref_slice %arg6[%add3A_209, %dma_start3A_217] : memref<524288x128xf32, #tpu.memory_space<hbm>> -> memref<128x128xf32, #tpu.memory_space<hbm>>
      %dma_start3A_219 = arith.constant 0 : i32
      %dma_start3A_220 = arith.constant 0 : i32
      %dma_start3A_221 = tpu.memref_slice %arg11[%dma_start3A_210, %dma_start3A_219, %dma_start3A_220] : memref<2x128x128xf32, #tpu.memory_space<vmem>> -> memref<1x128x128xf32, #tpu.memory_space<vmem>>
      %dma_start3A_222 = tpu.memref_squeeze %dma_start3A_221 : memref<1x128x128xf32, #tpu.memory_space<vmem>> -> memref<128x128xf32, #tpu.memory_space<vmem>>
      tpu.enqueue_dma source(%dma_start3A_222 : memref<128x128xf32, #tpu.memory_space<vmem>>) target(%dma_start3A_218 : memref<128x128xf32, #tpu.memory_space<hbm>>) target_semaphore(%arg18 : memref<!tpu.dma_semaphore, #tpu.memory_space<semaphore_mem>>)
      %lt3A_223 = arith.constant 63 : i32
      %lt3A_224 = arith.cmpi slt, %scan3A_169, %lt3A_223 : i32
      %convert_element_type3A_225 = arith.extui %lt3A_224 : i1 to i32
      %cond3A_226 = arith.constant 0 : i32
      %cond3A_227 = arith.cmpi ne, %convert_element_type3A_225, %cond3A_226 : i32
      scf.if %cond3A_227 {
        %dma_wait3A_291 = arith.constant 0 : i32
        %dma_wait3A_292 = arith.constant 0 : i32
        %dma_wait3A_293 = tpu.memref_slice %arg7[%dma_wait3A_291, %dma_wait3A_292] : memref<2x128xi32, #tpu.memory_space<vmem>> -> memref<1x128xi32, #tpu.memory_space<vmem>>
        %dma_wait3A_294 = tpu.memref_squeeze %dma_wait3A_293 : memref<1x128xi32, #tpu.memory_space<vmem>> -> memref<128xi32, #tpu.memory_space<vmem>>
        %dma_wait3A_295 = arith.constant 0 : i32
        %dma_wait3A_296 = tpu.memref_slice %arg2[%dma_wait3A_295] : memref<524288xi32, #tpu.memory_space<hbm>> -> memref<128xi32, #tpu.memory_space<hbm>>
        %dma_wait3A_297 = arith.constant 0 : i32
        %dma_wait3A_298 = tpu.memref_slice %arg7[%dma_wait3A_291, %dma_wait3A_297] : memref<2x128xi32, #tpu.memory_space<vmem>> -> memref<1x128xi32, #tpu.memory_space<vmem>>
        %dma_wait3A_299 = tpu.memref_squeeze %dma_wait3A_298 : memref<1x128xi32, #tpu.memory_space<vmem>> -> memref<128xi32, #tpu.memory_space<vmem>>
        %dma_wait3A_300 = arith.constant 0 : i32
        %dma_wait3A_301 = tpu.memref_slice %arg2[%dma_wait3A_300] : memref<524288xi32, #tpu.memory_space<hbm>> -> memref<128xi32, #tpu.memory_space<hbm>>
        tpu.wait_dma2 semaphore(%arg12 : memref<!tpu.dma_semaphore, #tpu.memory_space<semaphore_mem>>) src(%dma_wait3A_301 : memref<128xi32, #tpu.memory_space<hbm>>) dst(%dma_wait3A_299 : memref<128xi32, #tpu.memory_space<vmem>>)
        %dma_wait3A_302 = arith.constant 0 : i32
        %dma_wait3A_303 = arith.constant 0 : i32
        %dma_wait3A_304 = tpu.memref_slice %arg8[%dma_wait3A_302, %dma_wait3A_303] : memref<2x128xi32, #tpu.memory_space<vmem>> -> memref<1x128xi32, #tpu.memory_space<vmem>>
        %dma_wait3A_305 = tpu.memref_squeeze %dma_wait3A_304 : memref<1x128xi32, #tpu.memory_space<vmem>> -> memref<128xi32, #tpu.memory_space<vmem>>
        %dma_wait3A_306 = arith.constant 0 : i32
        %dma_wait3A_307 = tpu.memref_slice %arg3[%dma_wait3A_306] : memref<524288xi32, #tpu.memory_space<hbm>> -> memref<128xi32, #tpu.memory_space<hbm>>
        %dma_wait3A_308 = arith.constant 0 : i32
        %dma_wait3A_309 = tpu.memref_slice %arg8[%dma_wait3A_302, %dma_wait3A_308] : memref<2x128xi32, #tpu.memory_space<vmem>> -> memref<1x128xi32, #tpu.memory_space<vmem>>
        %dma_wait3A_310 = tpu.memref_squeeze %dma_wait3A_309 : memref<1x128xi32, #tpu.memory_space<vmem>> -> memref<128xi32, #tpu.memory_space<vmem>>
        %dma_wait3A_311 = arith.constant 0 : i32
        %dma_wait3A_312 = tpu.memref_slice %arg3[%dma_wait3A_311] : memref<524288xi32, #tpu.memory_space<hbm>> -> memref<128xi32, #tpu.memory_space<hbm>>
        tpu.wait_dma2 semaphore(%arg12 : memref<!tpu.dma_semaphore, #tpu.memory_space<semaphore_mem>>) src(%dma_wait3A_312 : memref<128xi32, #tpu.memory_space<hbm>>) dst(%dma_wait3A_310 : memref<128xi32, #tpu.memory_space<vmem>>)
        %dma_start3A_313 = arith.constant 0 : i32
        %dma_start3A_314 = arith.constant 0 : i32
        %dma_start3A_315 = arith.constant 0 : i32
        %dma_start3A_316 = arith.constant 0 : i32
        %dma_start3A_317 = tpu.memref_slice %arg9[%dma_start3A_314, %dma_start3A_315, %dma_start3A_316] : memref<2x128x128xf32, #tpu.memory_space<vmem>> -> memref<1x128x128xf32, #tpu.memory_space<vmem>>
        %dma_start3A_318 = tpu.memref_squeeze %dma_start3A_317 : memref<1x128x128xf32, #tpu.memory_space<vmem>> -> memref<128x128xf32, #tpu.memory_space<vmem>>
        %dma_start3A_319 = arith.constant 0 : i32
        %dma_start3A_320 = tpu.memref_slice %arg7[%dma_start3A_313, %dma_start3A_319] : memref<2x128xi32, #tpu.memory_space<vmem>> -> memref<1x128xi32, #tpu.memory_space<vmem>>
        %dma_start3A_321 = tpu.memref_squeeze %dma_start3A_320 : memref<1x128xi32, #tpu.memory_space<vmem>> -> memref<128xi32, #tpu.memory_space<vmem>>
        %dma_start3A_322 = arith.constant 0 : i32
        %dma_start3A_323 = arith.constant 0 : i32
        %dma_start3A_324 = tpu.memref_slice %arg4[%dma_start3A_322, %dma_start3A_323] : memref<100000x128xf32, #tpu.memory_space<hbm>> -> memref<100000x128xf32, #tpu.memory_space<hbm>>
        tpu.enqueue_indirect_dma source(%dma_start3A_324 : memref<100000x128xf32, #tpu.memory_space<hbm>>) target(%dma_start3A_318 : memref<128x128xf32, #tpu.memory_space<vmem>>) offsets(%dma_start3A_321 : memref<128xi32, #tpu.memory_space<vmem>>) semaphore(%arg14 : memref<!tpu.dma_semaphore, #tpu.memory_space<semaphore_mem>>)
        %dma_start3A_325 = arith.constant 0 : i32
        %dma_start3A_326 = arith.constant 0 : i32
        %dma_start3A_327 = arith.constant 0 : i32
        %dma_start3A_328 = arith.constant 0 : i32
        %dma_start3A_329 = tpu.memref_slice %arg10[%dma_start3A_326, %dma_start3A_327, %dma_start3A_328] : memref<2x128x128xf32, #tpu.memory_space<vmem>> -> memref<1x128x128xf32, #tpu.memory_space<vmem>>
        %dma_start3A_330 = tpu.memref_squeeze %dma_start3A_329 : memref<1x128x128xf32, #tpu.memory_space<vmem>> -> memref<128x128xf32, #tpu.memory_space<vmem>>
        %dma_start3A_331 = arith.constant 0 : i32
        %dma_start3A_332 = tpu.memref_slice %arg8[%dma_start3A_325, %dma_start3A_331] : memref<2x128xi32, #tpu.memory_space<vmem>> -> memref<1x128xi32, #tpu.memory_space<vmem>>
        %dma_start3A_333 = tpu.memref_squeeze %dma_start3A_332 : memref<1x128xi32, #tpu.memory_space<vmem>> -> memref<128xi32, #tpu.memory_space<vmem>>
        %dma_start3A_334 = arith.constant 0 : i32
        %dma_start3A_335 = arith.constant 0 : i32
        %dma_start3A_336 = tpu.memref_slice %arg5[%dma_start3A_334, %dma_start3A_335] : memref<513x128xf32, #tpu.memory_space<hbm>> -> memref<513x128xf32, #tpu.memory_space<hbm>>
        tpu.enqueue_indirect_dma source(%dma_start3A_336 : memref<513x128xf32, #tpu.memory_space<hbm>>) target(%dma_start3A_330 : memref<128x128xf32, #tpu.memory_space<vmem>>) offsets(%dma_start3A_333 : memref<128xi32, #tpu.memory_space<vmem>>) semaphore(%arg16 : memref<!tpu.dma_semaphore, #tpu.memory_space<semaphore_mem>>)
      } else {
      }
      %mul3A_228 = arith.constant 2 : i32
      %mul3A_229 = arith.muli %mul3A_228, %scan3A_169 : i32
      %add3A_230 = arith.constant 1 : i32
      %add3A_231 = arith.addi %mul3A_229, %add3A_230 : i32
      %dma_wait3A_232 = arith.constant 1 : i32
      %dma_wait3A_233 = arith.constant 1 : i32
      %dma_wait3A_234 = arith.constant 0 : i32
      %dma_wait3A_235 = arith.constant 0 : i32
      %dma_wait3A_236 = tpu.memref_slice %arg9[%dma_wait3A_233, %dma_wait3A_234, %dma_wait3A_235] : memref<2x128x128xf32, #tpu.memory_space<vmem>> -> memref<1x128x128xf32, #tpu.memory_space<vmem>>
      %dma_wait3A_237 = tpu.memref_squeeze %dma_wait3A_236 : memref<1x128x128xf32, #tpu.memory_space<vmem>> -> memref<128x128xf32, #tpu.memory_space<vmem>>
      %dma_wait3A_238 = arith.constant 0 : i32
      %dma_wait3A_239 = tpu.memref_slice %arg7[%dma_wait3A_232, %dma_wait3A_238] : memref<2x128xi32, #tpu.memory_space<vmem>> -> memref<1x128xi32, #tpu.memory_space<vmem>>
      %dma_wait3A_240 = tpu.memref_squeeze %dma_wait3A_239 : memref<1x128xi32, #tpu.memory_space<vmem>> -> memref<128xi32, #tpu.memory_space<vmem>>
      %dma_wait3A_241 = arith.constant 0 : i32
      %dma_wait3A_242 = arith.constant 0 : i32
      %dma_wait3A_243 = tpu.memref_slice %arg4[%dma_wait3A_241, %dma_wait3A_242] : memref<100000x128xf32, #tpu.memory_space<hbm>> -> memref<100000x128xf32, #tpu.memory_space<hbm>>
      tpu.wait_indirect_dma semaphore(%arg15 : memref<!tpu.dma_semaphore, #tpu.memory_space<semaphore_mem>>) src(%dma_wait3A_243 : memref<100000x128xf32, #tpu.memory_space<hbm>>) dst(%dma_wait3A_237 : memref<128x128xf32, #tpu.memory_space<vmem>>)
      %dma_wait3A_244 = arith.constant 1 : i32
      %dma_wait3A_245 = arith.constant 1 : i32
      %dma_wait3A_246 = arith.constant 0 : i32
      %dma_wait3A_247 = arith.constant 0 : i32
      %dma_wait3A_248 = tpu.memref_slice %arg10[%dma_wait3A_245, %dma_wait3A_246, %dma_wait3A_247] : memref<2x128x128xf32, #tpu.memory_space<vmem>> -> memref<1x128x128xf32, #tpu.memory_space<vmem>>
      %dma_wait3A_249 = tpu.memref_squeeze %dma_wait3A_248 : memref<1x128x128xf32, #tpu.memory_space<vmem>> -> memref<128x128xf32, #tpu.memory_space<vmem>>
      %dma_wait3A_250 = arith.constant 0 : i32
      %dma_wait3A_251 = tpu.memref_slice %arg8[%dma_wait3A_244, %dma_wait3A_250] : memref<2x128xi32, #tpu.memory_space<vmem>> -> memref<1x128xi32, #tpu.memory_space<vmem>>
      %dma_wait3A_252 = tpu.memref_squeeze %dma_wait3A_251 : memref<1x128xi32, #tpu.memory_space<vmem>> -> memref<128xi32, #tpu.memory_space<vmem>>
      %dma_wait3A_253 = arith.constant 0 : i32
      %dma_wait3A_254 = arith.constant 0 : i32
      %dma_wait3A_255 = tpu.memref_slice %arg5[%dma_wait3A_253, %dma_wait3A_254] : memref<513x128xf32, #tpu.memory_space<hbm>> -> memref<513x128xf32, #tpu.memory_space<hbm>>
      tpu.wait_indirect_dma semaphore(%arg17 : memref<!tpu.dma_semaphore, #tpu.memory_space<semaphore_mem>>) src(%dma_wait3A_255 : memref<513x128xf32, #tpu.memory_space<hbm>>) dst(%dma_wait3A_249 : memref<128x128xf32, #tpu.memory_space<vmem>>)
      %lt3A_256 = arith.constant 63 : i32
      %lt3A_257 = arith.cmpi slt, %scan3A_169, %lt3A_256 : i32
      %convert_element_type3A_258 = arith.extui %lt3A_257 : i1 to i32
      %cond3A_259 = arith.constant 0 : i32
      %cond3A_260 = arith.cmpi ne, %convert_element_type3A_258, %cond3A_259 : i32
      scf.if %cond3A_260 {
        %add3A_291 = arith.constant 2 : i32
        %add3A_292 = arith.addi %add3A_231, %add3A_291 : i32
        %mul3A_293 = arith.constant 128 : i32
        %mul3A_294 = arith.muli %add3A_292, %mul3A_293 : i32
        %add3A_295 = arith.addi %mul3A_2, %mul3A_294 : i32
        %dma_start3A_296 = arith.constant 1 : i32
        %dma_start3A_297 = arith.constant 0 : i32
        %dma_start3A_298 = tpu.memref_slice %arg7[%dma_start3A_296, %dma_start3A_297] : memref<2x128xi32, #tpu.memory_space<vmem>> -> memref<1x128xi32, #tpu.memory_space<vmem>>
        %dma_start3A_299 = tpu.memref_squeeze %dma_start3A_298 : memref<1x128xi32, #tpu.memory_space<vmem>> -> memref<128xi32, #tpu.memory_space<vmem>>
        %dma_start3A_300 = tpu.memref_slice %arg2[%add3A_295] : memref<524288xi32, #tpu.memory_space<hbm>> -> memref<128xi32, #tpu.memory_space<hbm>>
        %dma_start3A_301 = arith.constant 0 : i32
        %dma_start3A_302 = tpu.memref_slice %arg7[%dma_start3A_296, %dma_start3A_301] : memref<2x128xi32, #tpu.memory_space<vmem>> -> memref<1x128xi32, #tpu.memory_space<vmem>>
        %dma_start3A_303 = tpu.memref_squeeze %dma_start3A_302 : memref<1x128xi32, #tpu.memory_space<vmem>> -> memref<128xi32, #tpu.memory_space<vmem>>
        %dma_start3A_304 = tpu.memref_slice %arg2[%add3A_295] : memref<524288xi32, #tpu.memory_space<hbm>> -> memref<128xi32, #tpu.memory_space<hbm>>
        tpu.enqueue_dma source(%dma_start3A_304 : memref<128xi32, #tpu.memory_space<hbm>>) target(%dma_start3A_303 : memref<128xi32, #tpu.memory_space<vmem>>) target_semaphore(%arg13 : memref<!tpu.dma_semaphore, #tpu.memory_space<semaphore_mem>>)
        %dma_start3A_305 = arith.constant 1 : i32
        %dma_start3A_306 = arith.constant 0 : i32
        %dma_start3A_307 = tpu.memref_slice %arg8[%dma_start3A_305, %dma_start3A_306] : memref<2x128xi32, #tpu.memory_space<vmem>> -> memref<1x128xi32, #tpu.memory_space<vmem>>
        %dma_start3A_308 = tpu.memref_squeeze %dma_start3A_307 : memref<1x128xi32, #tpu.memory_space<vmem>> -> memref<128xi32, #tpu.memory_space<vmem>>
        %dma_start3A_309 = tpu.memref_slice %arg3[%add3A_295] : memref<524288xi32, #tpu.memory_space<hbm>> -> memref<128xi32, #tpu.memory_space<hbm>>
        %dma_start3A_310 = arith.constant 0 : i32
        %dma_start3A_311 = tpu.memref_slice %arg8[%dma_start3A_305, %dma_start3A_310] : memref<2x128xi32, #tpu.memory_space<vmem>> -> memref<1x128xi32, #tpu.memory_space<vmem>>
        %dma_start3A_312 = tpu.memref_squeeze %dma_start3A_311 : memref<1x128xi32, #tpu.memory_space<vmem>> -> memref<128xi32, #tpu.memory_space<vmem>>
        %dma_start3A_313 = tpu.memref_slice %arg3[%add3A_295] : memref<524288xi32, #tpu.memory_space<hbm>> -> memref<128xi32, #tpu.memory_space<hbm>>
        tpu.enqueue_dma source(%dma_start3A_313 : memref<128xi32, #tpu.memory_space<hbm>>) target(%dma_start3A_312 : memref<128xi32, #tpu.memory_space<vmem>>) target_semaphore(%arg13 : memref<!tpu.dma_semaphore, #tpu.memory_space<semaphore_mem>>)
      } else {
      }
      %gt3A_261 = arith.constant 0 : i32
      %gt3A_262 = arith.cmpi sgt, %scan3A_169, %gt3A_261 : i32
      %convert_element_type3A_263 = arith.extui %gt3A_262 : i1 to i32
      %cond3A_264 = arith.constant 0 : i32
      %cond3A_265 = arith.cmpi ne, %convert_element_type3A_263, %cond3A_264 : i32
      scf.if %cond3A_265 {
        %dma_wait3A_291 = arith.constant 1 : i32
        %dma_wait3A_292 = arith.constant 0 : i32
        %dma_wait3A_293 = arith.constant 0 : i32
        %dma_wait3A_294 = tpu.memref_slice %arg11[%dma_wait3A_291, %dma_wait3A_292, %dma_wait3A_293] : memref<2x128x128xf32, #tpu.memory_space<vmem>> -> memref<1x128x128xf32, #tpu.memory_space<vmem>>
        %dma_wait3A_295 = tpu.memref_squeeze %dma_wait3A_294 : memref<1x128x128xf32, #tpu.memory_space<vmem>> -> memref<128x128xf32, #tpu.memory_space<vmem>>
        %dma_wait3A_296 = arith.constant 0 : i32
        %dma_wait3A_297 = arith.constant 0 : i32
        %dma_wait3A_298 = tpu.memref_slice %arg6[%dma_wait3A_296, %dma_wait3A_297] : memref<524288x128xf32, #tpu.memory_space<hbm>> -> memref<128x128xf32, #tpu.memory_space<hbm>>
        %dma_wait3A_299 = arith.constant 0 : i32
        %dma_wait3A_300 = arith.constant 0 : i32
        %dma_wait3A_301 = tpu.memref_slice %arg6[%dma_wait3A_299, %dma_wait3A_300] : memref<524288x128xf32, #tpu.memory_space<hbm>> -> memref<128x128xf32, #tpu.memory_space<hbm>>
        %dma_wait3A_302 = arith.constant 0 : i32
        %dma_wait3A_303 = arith.constant 0 : i32
        %dma_wait3A_304 = tpu.memref_slice %arg11[%dma_wait3A_291, %dma_wait3A_302, %dma_wait3A_303] : memref<2x128x128xf32, #tpu.memory_space<vmem>> -> memref<1x128x128xf32, #tpu.memory_space<vmem>>
        %dma_wait3A_305 = tpu.memref_squeeze %dma_wait3A_304 : memref<1x128x128xf32, #tpu.memory_space<vmem>> -> memref<128x128xf32, #tpu.memory_space<vmem>>
        tpu.wait_dma2 semaphore(%arg19 : memref<!tpu.dma_semaphore, #tpu.memory_space<semaphore_mem>>) src(%dma_wait3A_305 : memref<128x128xf32, #tpu.memory_space<vmem>>) dst(%dma_wait3A_301 : memref<128x128xf32, #tpu.memory_space<hbm>>)
      } else {
      }
      %parallel_loop3A_266 = arith.constant 0 : i32
      %parallel_loop3A_267 = arith.constant 128 : i32
      %parallel_loop3A_268 = arith.constant 1 : i32
      scf.for %parallel_loop3A_291 = %parallel_loop3A_266 to %parallel_loop3A_267 step %parallel_loop3A_268  : i32 {
        %parallel_loop3A_292 = arith.constant 1 : i32
        %parallel_loop3A_293 = arith.index_cast %parallel_loop3A_292 : i32 to index
        %parallel_loop3A_294 = arith.index_cast %parallel_loop3A_291 : i32 to index
        %parallel_loop3A_295 = arith.constant 0 : index
        %parallel_loop3A_296 = tpu.vector_load %arg9[%parallel_loop3A_293, %parallel_loop3A_294, %parallel_loop3A_295] {strides = array<i32>} : memref<2x128x128xf32, #tpu.memory_space<vmem>>, vector<1x1x16xf32>,
        %parallel_loop3A_297 = vector.shape_cast %parallel_loop3A_296 : vector<1x1x16xf32> to vector<16xf32>
        %parallel_loop3A_298 = arith.constant 1 : i32
        %parallel_loop3A_299 = arith.index_cast %parallel_loop3A_298 : i32 to index
        %parallel_loop3A_300 = arith.index_cast %parallel_loop3A_291 : i32 to index
        %parallel_loop3A_301 = arith.constant 0 : index
        %parallel_loop3A_302 = tpu.vector_load %arg10[%parallel_loop3A_299, %parallel_loop3A_300, %parallel_loop3A_301] {strides = array<i32>} : memref<2x128x128xf32, #tpu.memory_space<vmem>>, vector<1x1x16xf32>,
        %parallel_loop3A_303 = vector.shape_cast %parallel_loop3A_302 : vector<1x1x16xf32> to vector<16xf32>
        %parallel_loop3A_304 = arith.addf %parallel_loop3A_297, %parallel_loop3A_303 : vector<16xf32>
        %parallel_loop3A_305 = arith.constant 1 : i32
        %parallel_loop3A_306 = arith.index_cast %parallel_loop3A_305 : i32 to index
        %parallel_loop3A_307 = arith.index_cast %parallel_loop3A_291 : i32 to index
        %parallel_loop3A_308 = arith.constant 0 : index
        %parallel_loop3A_309 = tpu.vector_load %arg11[%parallel_loop3A_306, %parallel_loop3A_307, %parallel_loop3A_308] {strides = array<i32>} : memref<2x128x128xf32, #tpu.memory_space<vmem>>, vector<1x1x16xf32>,
        %parallel_loop3A_310 = vector.shape_cast %parallel_loop3A_309 : vector<1x1x16xf32> to vector<16xf32>
        %parallel_loop3A_311 = vector.shape_cast %parallel_loop3A_304 : vector<16xf32> to vector<1x1x16xf32>
        tpu.vector_store %arg11[%parallel_loop3A_306, %parallel_loop3A_307, %parallel_loop3A_308], %parallel_loop3A_311 {strides = array<i32>} : memref<2x128x128xf32, #tpu.memory_space<vmem>>, vector<1x1x16xf32>,
        %parallel_loop3A_312 = arith.constant 1 : i32
        %parallel_loop3A_313 = arith.index_cast %parallel_loop3A_312 : i32 to index
        %parallel_loop3A_314 = arith.index_cast %parallel_loop3A_291 : i32 to index
        %parallel_loop3A_315 = arith.constant 16 : index
        %parallel_loop3A_316 = tpu.vector_load %arg9[%parallel_loop3A_313, %parallel_loop3A_314, %parallel_loop3A_315] {strides = array<i32>} : memref<2x128x128xf32, #tpu.memory_space<vmem>>, vector<1x1x16xf32>,
        %parallel_loop3A_317 = vector.shape_cast %parallel_loop3A_316 : vector<1x1x16xf32> to vector<16xf32>
        %parallel_loop3A_318 = arith.constant 1 : i32
        %parallel_loop3A_319 = arith.index_cast %parallel_loop3A_318 : i32 to index
        %parallel_loop3A_320 = arith.index_cast %parallel_loop3A_291 : i32 to index
        %parallel_loop3A_321 = arith.constant 16 : index
        %parallel_loop3A_322 = tpu.vector_load %arg10[%parallel_loop3A_319, %parallel_loop3A_320, %parallel_loop3A_321] {strides = array<i32>} : memref<2x128x128xf32, #tpu.memory_space<vmem>>, vector<1x1x16xf32>,
        %parallel_loop3A_323 = vector.shape_cast %parallel_loop3A_322 : vector<1x1x16xf32> to vector<16xf32>
        %parallel_loop3A_324 = arith.addf %parallel_loop3A_317, %parallel_loop3A_323 : vector<16xf32>
        %parallel_loop3A_325 = arith.constant 1 : i32
        %parallel_loop3A_326 = arith.index_cast %parallel_loop3A_325 : i32 to index
        %parallel_loop3A_327 = arith.index_cast %parallel_loop3A_291 : i32 to index
        %parallel_loop3A_328 = arith.constant 16 : index
        %parallel_loop3A_329 = tpu.vector_load %arg11[%parallel_loop3A_326, %parallel_loop3A_327, %parallel_loop3A_328] {strides = array<i32>} : memref<2x128x128xf32, #tpu.memory_space<vmem>>, vector<1x1x16xf32>,
        %parallel_loop3A_330 = vector.shape_cast %parallel_loop3A_329 : vector<1x1x16xf32> to vector<16xf32>
        %parallel_loop3A_331 = vector.shape_cast %parallel_loop3A_324 : vector<16xf32> to vector<1x1x16xf32>
        tpu.vector_store %arg11[%parallel_loop3A_326, %parallel_loop3A_327, %parallel_loop3A_328], %parallel_loop3A_331 {strides = array<i32>} : memref<2x128x128xf32, #tpu.memory_space<vmem>>, vector<1x1x16xf32>,
        %parallel_loop3A_332 = arith.constant 1 : i32
        %parallel_loop3A_333 = arith.index_cast %parallel_loop3A_332 : i32 to index
        %parallel_loop3A_334 = arith.index_cast %parallel_loop3A_291 : i32 to index
        %parallel_loop3A_335 = arith.constant 32 : index
        %parallel_loop3A_336 = tpu.vector_load %arg9[%parallel_loop3A_333, %parallel_loop3A_334, %parallel_loop3A_335] {strides = array<i32>} : memref<2x128x128xf32, #tpu.memory_space<vmem>>, vector<1x1x16xf32>,
        %parallel_loop3A_337 = vector.shape_cast %parallel_loop3A_336 : vector<1x1x16xf32> to vector<16xf32>
        %parallel_loop3A_338 = arith.constant 1 : i32
        %parallel_loop3A_339 = arith.index_cast %parallel_loop3A_338 : i32 to index
        %parallel_loop3A_340 = arith.index_cast %parallel_loop3A_291 : i32 to index
        %parallel_loop3A_341 = arith.constant 32 : index
        %parallel_loop3A_342 = tpu.vector_load %arg10[%parallel_loop3A_339, %parallel_loop3A_340, %parallel_loop3A_341] {strides = array<i32>} : memref<2x128x128xf32, #tpu.memory_space<vmem>>, vector<1x1x16xf32>,
        %parallel_loop3A_343 = vector.shape_cast %parallel_loop3A_342 : vector<1x1x16xf32> to vector<16xf32>
        %parallel_loop3A_344 = arith.addf %parallel_loop3A_337, %parallel_loop3A_343 : vector<16xf32>
        %parallel_loop3A_345 = arith.constant 1 : i32
        %parallel_loop3A_346 = arith.index_cast %parallel_loop3A_345 : i32 to index
        %parallel_loop3A_347 = arith.index_cast %parallel_loop3A_291 : i32 to index
        %parallel_loop3A_348 = arith.constant 32 : index
        %parallel_loop3A_349 = tpu.vector_load %arg11[%parallel_loop3A_346, %parallel_loop3A_347, %parallel_loop3A_348] {strides = array<i32>} : memref<2x128x128xf32, #tpu.memory_space<vmem>>, vector<1x1x16xf32>,
        %parallel_loop3A_350 = vector.shape_cast %parallel_loop3A_349 : vector<1x1x16xf32> to vector<16xf32>
        %parallel_loop3A_351 = vector.shape_cast %parallel_loop3A_344 : vector<16xf32> to vector<1x1x16xf32>
        tpu.vector_store %arg11[%parallel_loop3A_346, %parallel_loop3A_347, %parallel_loop3A_348], %parallel_loop3A_351 {strides = array<i32>} : memref<2x128x128xf32, #tpu.memory_space<vmem>>, vector<1x1x16xf32>,
        %parallel_loop3A_352 = arith.constant 1 : i32
        %parallel_loop3A_353 = arith.index_cast %parallel_loop3A_352 : i32 to index
        %parallel_loop3A_354 = arith.index_cast %parallel_loop3A_291 : i32 to index
        %parallel_loop3A_355 = arith.constant 48 : index
        %parallel_loop3A_356 = tpu.vector_load %arg9[%parallel_loop3A_353, %parallel_loop3A_354, %parallel_loop3A_355] {strides = array<i32>} : memref<2x128x128xf32, #tpu.memory_space<vmem>>, vector<1x1x16xf32>,
        %parallel_loop3A_357 = vector.shape_cast %parallel_loop3A_356 : vector<1x1x16xf32> to vector<16xf32>
        %parallel_loop3A_358 = arith.constant 1 : i32
        %parallel_loop3A_359 = arith.index_cast %parallel_loop3A_358 : i32 to index
        %parallel_loop3A_360 = arith.index_cast %parallel_loop3A_291 : i32 to index
        %parallel_loop3A_361 = arith.constant 48 : index
        %parallel_loop3A_362 = tpu.vector_load %arg10[%parallel_loop3A_359, %parallel_loop3A_360, %parallel_loop3A_361] {strides = array<i32>} : memref<2x128x128xf32, #tpu.memory_space<vmem>>, vector<1x1x16xf32>,
        %parallel_loop3A_363 = vector.shape_cast %parallel_loop3A_362 : vector<1x1x16xf32> to vector<16xf32>
        %parallel_loop3A_364 = arith.addf %parallel_loop3A_357, %parallel_loop3A_363 : vector<16xf32>
        %parallel_loop3A_365 = arith.constant 1 : i32
        %parallel_loop3A_366 = arith.index_cast %parallel_loop3A_365 : i32 to index
        %parallel_loop3A_367 = arith.index_cast %parallel_loop3A_291 : i32 to index
        %parallel_loop3A_368 = arith.constant 48 : index
        %parallel_loop3A_369 = tpu.vector_load %arg11[%parallel_loop3A_366, %parallel_loop3A_367, %parallel_loop3A_368] {strides = array<i32>} : memref<2x128x128xf32, #tpu.memory_space<vmem>>, vector<1x1x16xf32>,
        %parallel_loop3A_370 = vector.shape_cast %parallel_loop3A_369 : vector<1x1x16xf32> to vector<16xf32>
        %parallel_loop3A_371 = vector.shape_cast %parallel_loop3A_364 : vector<16xf32> to vector<1x1x16xf32>
        tpu.vector_store %arg11[%parallel_loop3A_366, %parallel_loop3A_367, %parallel_loop3A_368], %parallel_loop3A_371 {strides = array<i32>} : memref<2x128x128xf32, #tpu.memory_space<vmem>>, vector<1x1x16xf32>,
        %parallel_loop3A_372 = arith.constant 1 : i32
        %parallel_loop3A_373 = arith.index_cast %parallel_loop3A_372 : i32 to index
        %parallel_loop3A_374 = arith.index_cast %parallel_loop3A_291 : i32 to index
        %parallel_loop3A_375 = arith.constant 64 : index
        %parallel_loop3A_376 = tpu.vector_load %arg9[%parallel_loop3A_373, %parallel_loop3A_374, %parallel_loop3A_375] {strides = array<i32>} : memref<2x128x128xf32, #tpu.memory_space<vmem>>, vector<1x1x16xf32>,
        %parallel_loop3A_377 = vector.shape_cast %parallel_loop3A_376 : vector<1x1x16xf32> to vector<16xf32>
        %parallel_loop3A_378 = arith.constant 1 : i32
        %parallel_loop3A_379 = arith.index_cast %parallel_loop3A_378 : i32 to index
        %parallel_loop3A_380 = arith.index_cast %parallel_loop3A_291 : i32 to index
        %parallel_loop3A_381 = arith.constant 64 : index
        %parallel_loop3A_382 = tpu.vector_load %arg10[%parallel_loop3A_379, %parallel_loop3A_380, %parallel_loop3A_381] {strides = array<i32>} : memref<2x128x128xf32, #tpu.memory_space<vmem>>, vector<1x1x16xf32>,
        %parallel_loop3A_383 = vector.shape_cast %parallel_loop3A_382 : vector<1x1x16xf32> to vector<16xf32>
        %parallel_loop3A_384 = arith.addf %parallel_loop3A_377, %parallel_loop3A_383 : vector<16xf32>
        %parallel_loop3A_385 = arith.constant 1 : i32
        %parallel_loop3A_386 = arith.index_cast %parallel_loop3A_385 : i32 to index
        %parallel_loop3A_387 = arith.index_cast %parallel_loop3A_291 : i32 to index
        %parallel_loop3A_388 = arith.constant 64 : index
        %parallel_loop3A_389 = tpu.vector_load %arg11[%parallel_loop3A_386, %parallel_loop3A_387, %parallel_loop3A_388] {strides = array<i32>} : memref<2x128x128xf32, #tpu.memory_space<vmem>>, vector<1x1x16xf32>,
        %parallel_loop3A_390 = vector.shape_cast %parallel_loop3A_389 : vector<1x1x16xf32> to vector<16xf32>
        %parallel_loop3A_391 = vector.shape_cast %parallel_loop3A_384 : vector<16xf32> to vector<1x1x16xf32>
        tpu.vector_store %arg11[%parallel_loop3A_386, %parallel_loop3A_387, %parallel_loop3A_388], %parallel_loop3A_391 {strides = array<i32>} : memref<2x128x128xf32, #tpu.memory_space<vmem>>, vector<1x1x16xf32>,
        %parallel_loop3A_392 = arith.constant 1 : i32
        %parallel_loop3A_393 = arith.index_cast %parallel_loop3A_392 : i32 to index
        %parallel_loop3A_394 = arith.index_cast %parallel_loop3A_291 : i32 to index
        %parallel_loop3A_395 = arith.constant 80 : index
        %parallel_loop3A_396 = tpu.vector_load %arg9[%parallel_loop3A_393, %parallel_loop3A_394, %parallel_loop3A_395] {strides = array<i32>} : memref<2x128x128xf32, #tpu.memory_space<vmem>>, vector<1x1x16xf32>,
        %parallel_loop3A_397 = vector.shape_cast %parallel_loop3A_396 : vector<1x1x16xf32> to vector<16xf32>
        %parallel_loop3A_398 = arith.constant 1 : i32
        %parallel_loop3A_399 = arith.index_cast %parallel_loop3A_398 : i32 to index
        %parallel_loop3A_400 = arith.index_cast %parallel_loop3A_291 : i32 to index
        %parallel_loop3A_401 = arith.constant 80 : index
        %parallel_loop3A_402 = tpu.vector_load %arg10[%parallel_loop3A_399, %parallel_loop3A_400, %parallel_loop3A_401] {strides = array<i32>} : memref<2x128x128xf32, #tpu.memory_space<vmem>>, vector<1x1x16xf32>,
        %parallel_loop3A_403 = vector.shape_cast %parallel_loop3A_402 : vector<1x1x16xf32> to vector<16xf32>
        %parallel_loop3A_404 = arith.addf %parallel_loop3A_397, %parallel_loop3A_403 : vector<16xf32>
        %parallel_loop3A_405 = arith.constant 1 : i32
        %parallel_loop3A_406 = arith.index_cast %parallel_loop3A_405 : i32 to index
        %parallel_loop3A_407 = arith.index_cast %parallel_loop3A_291 : i32 to index
        %parallel_loop3A_408 = arith.constant 80 : index
        %parallel_loop3A_409 = tpu.vector_load %arg11[%parallel_loop3A_406, %parallel_loop3A_407, %parallel_loop3A_408] {strides = array<i32>} : memref<2x128x128xf32, #tpu.memory_space<vmem>>, vector<1x1x16xf32>,
        %parallel_loop3A_410 = vector.shape_cast %parallel_loop3A_409 : vector<1x1x16xf32> to vector<16xf32>
        %parallel_loop3A_411 = vector.shape_cast %parallel_loop3A_404 : vector<16xf32> to vector<1x1x16xf32>
        tpu.vector_store %arg11[%parallel_loop3A_406, %parallel_loop3A_407, %parallel_loop3A_408], %parallel_loop3A_411 {strides = array<i32>} : memref<2x128x128xf32, #tpu.memory_space<vmem>>, vector<1x1x16xf32>,
        %parallel_loop3A_412 = arith.constant 1 : i32
        %parallel_loop3A_413 = arith.index_cast %parallel_loop3A_412 : i32 to index
        %parallel_loop3A_414 = arith.index_cast %parallel_loop3A_291 : i32 to index
        %parallel_loop3A_415 = arith.constant 96 : index
        %parallel_loop3A_416 = tpu.vector_load %arg9[%parallel_loop3A_413, %parallel_loop3A_414, %parallel_loop3A_415] {strides = array<i32>} : memref<2x128x128xf32, #tpu.memory_space<vmem>>, vector<1x1x16xf32>,
        %parallel_loop3A_417 = vector.shape_cast %parallel_loop3A_416 : vector<1x1x16xf32> to vector<16xf32>
        %parallel_loop3A_418 = arith.constant 1 : i32
        %parallel_loop3A_419 = arith.index_cast %parallel_loop3A_418 : i32 to index
        %parallel_loop3A_420 = arith.index_cast %parallel_loop3A_291 : i32 to index
        %parallel_loop3A_421 = arith.constant 96 : index
        %parallel_loop3A_422 = tpu.vector_load %arg10[%parallel_loop3A_419, %parallel_loop3A_420, %parallel_loop3A_421] {strides = array<i32>} : memref<2x128x128xf32, #tpu.memory_space<vmem>>, vector<1x1x16xf32>,
        %parallel_loop3A_423 = vector.shape_cast %parallel_loop3A_422 : vector<1x1x16xf32> to vector<16xf32>
        %parallel_loop3A_424 = arith.addf %parallel_loop3A_417, %parallel_loop3A_423 : vector<16xf32>
        %parallel_loop3A_425 = arith.constant 1 : i32
        %parallel_loop3A_426 = arith.index_cast %parallel_loop3A_425 : i32 to index
        %parallel_loop3A_427 = arith.index_cast %parallel_loop3A_291 : i32 to index
        %parallel_loop3A_428 = arith.constant 96 : index
        %parallel_loop3A_429 = tpu.vector_load %arg11[%parallel_loop3A_426, %parallel_loop3A_427, %parallel_loop3A_428] {strides = array<i32>} : memref<2x128x128xf32, #tpu.memory_space<vmem>>, vector<1x1x16xf32>,
        %parallel_loop3A_430 = vector.shape_cast %parallel_loop3A_429 : vector<1x1x16xf32> to vector<16xf32>
        %parallel_loop3A_431 = vector.shape_cast %parallel_loop3A_424 : vector<16xf32> to vector<1x1x16xf32>
        tpu.vector_store %arg11[%parallel_loop3A_426, %parallel_loop3A_427, %parallel_loop3A_428], %parallel_loop3A_431 {strides = array<i32>} : memref<2x128x128xf32, #tpu.memory_space<vmem>>, vector<1x1x16xf32>,
        %parallel_loop3A_432 = arith.constant 1 : i32
        %parallel_loop3A_433 = arith.index_cast %parallel_loop3A_432 : i32 to index
        %parallel_loop3A_434 = arith.index_cast %parallel_loop3A_291 : i32 to index
        %parallel_loop3A_435 = arith.constant 112 : index
        %parallel_loop3A_436 = tpu.vector_load %arg9[%parallel_loop3A_433, %parallel_loop3A_434, %parallel_loop3A_435] {strides = array<i32>} : memref<2x128x128xf32, #tpu.memory_space<vmem>>, vector<1x1x16xf32>,
        %parallel_loop3A_437 = vector.shape_cast %parallel_loop3A_436 : vector<1x1x16xf32> to vector<16xf32>
        %parallel_loop3A_438 = arith.constant 1 : i32
        %parallel_loop3A_439 = arith.index_cast %parallel_loop3A_438 : i32 to index
        %parallel_loop3A_440 = arith.index_cast %parallel_loop3A_291 : i32 to index
        %parallel_loop3A_441 = arith.constant 112 : index
        %parallel_loop3A_442 = tpu.vector_load %arg10[%parallel_loop3A_439, %parallel_loop3A_440, %parallel_loop3A_441] {strides = array<i32>} : memref<2x128x128xf32, #tpu.memory_space<vmem>>, vector<1x1x16xf32>,
        %parallel_loop3A_443 = vector.shape_cast %parallel_loop3A_442 : vector<1x1x16xf32> to vector<16xf32>
        %parallel_loop3A_444 = arith.addf %parallel_loop3A_437, %parallel_loop3A_443 : vector<16xf32>
        %parallel_loop3A_445 = arith.constant 1 : i32
        %parallel_loop3A_446 = arith.index_cast %parallel_loop3A_445 : i32 to index
        %parallel_loop3A_447 = arith.index_cast %parallel_loop3A_291 : i32 to index
        %parallel_loop3A_448 = arith.constant 112 : index
        %parallel_loop3A_449 = tpu.vector_load %arg11[%parallel_loop3A_446, %parallel_loop3A_447, %parallel_loop3A_448] {strides = array<i32>} : memref<2x128x128xf32, #tpu.memory_space<vmem>>, vector<1x1x16xf32>,
        %parallel_loop3A_450 = vector.shape_cast %parallel_loop3A_449 : vector<1x1x16xf32> to vector<16xf32>
        %parallel_loop3A_451 = vector.shape_cast %parallel_loop3A_444 : vector<16xf32> to vector<1x1x16xf32>
        tpu.vector_store %arg11[%parallel_loop3A_446, %parallel_loop3A_447, %parallel_loop3A_448], %parallel_loop3A_451 {strides = array<i32>} : memref<2x128x128xf32, #tpu.memory_space<vmem>>, vector<1x1x16xf32>,
      } {sc.loop_unroll_factor = 2 : i64, sc.parallel_access}
      %mul3A_269 = arith.constant 128 : i32
      %mul3A_270 = arith.muli %add3A_231, %mul3A_269 : i32
      %add3A_271 = arith.addi %mul3A_2, %mul3A_270 : i32
      %dma_start3A_272 = arith.constant 1 : i32
      %dma_start3A_273 = arith.constant 0 : i32
      %dma_start3A_274 = arith.constant 0 : i32
      %dma_start3A_275 = tpu.memref_slice %arg11[%dma_start3A_272, %dma_start3A_273, %dma_start3A_274] : memref<2x128x128xf32, #tpu.memory_space<vmem>> -> memref<1x128x128xf32, #tpu.memory_space<vmem>>
      %dma_start3A_276 = tpu.memref_squeeze %dma_start3A_275 : memref<1x128x128xf32, #tpu.memory_space<vmem>> -> memref<128x128xf32, #tpu.memory_space<vmem>>
      %dma_start3A_277 = arith.constant 0 : i32
      %dma_start3A_278 = tpu.memref_slice %arg6[%add3A_271, %dma_start3A_277] : memref<524288x128xf32, #tpu.memory_space<hbm>> -> memref<128x128xf32, #tpu.memory_space<hbm>>
      %dma_start3A_279 = arith.constant 0 : i32
      %dma_start3A_280 = tpu.memref_slice %arg6[%add3A_271, %dma_start3A_279] : memref<524288x128xf32, #tpu.memory_space<hbm>> -> memref<128x128xf32, #tpu.memory_space<hbm>>
      %dma_start3A_281 = arith.constant 0 : i32
      %dma_start3A_282 = arith.constant 0 : i32
      %dma_start3A_283 = tpu.memref_slice %arg11[%dma_start3A_272, %dma_start3A_281, %dma_start3A_282] : memref<2x128x128xf32, #tpu.memory_space<vmem>> -> memref<1x128x128xf32, #tpu.memory_space<vmem>>
      %dma_start3A_284 = tpu.memref_squeeze %dma_start3A_283 : memref<1x128x128xf32, #tpu.memory_space<vmem>> -> memref<128x128xf32, #tpu.memory_space<vmem>>
      tpu.enqueue_dma source(%dma_start3A_284 : memref<128x128xf32, #tpu.memory_space<vmem>>) target(%dma_start3A_280 : memref<128x128xf32, #tpu.memory_space<hbm>>) target_semaphore(%arg19 : memref<!tpu.dma_semaphore, #tpu.memory_space<semaphore_mem>>)
      %lt3A_285 = arith.constant 63 : i32
      %lt3A_286 = arith.cmpi slt, %scan3A_169, %lt3A_285 : i32
      %convert_element_type3A_287 = arith.extui %lt3A_286 : i1 to i32
      %cond3A_288 = arith.constant 0 : i32
      %cond3A_289 = arith.cmpi ne, %convert_element_type3A_287, %cond3A_288 : i32
      scf.if %cond3A_289 {
        %dma_wait3A_291 = arith.constant 1 : i32
        %dma_wait3A_292 = arith.constant 0 : i32
        %dma_wait3A_293 = tpu.memref_slice %arg7[%dma_wait3A_291, %dma_wait3A_292] : memref<2x128xi32, #tpu.memory_space<vmem>> -> memref<1x128xi32, #tpu.memory_space<vmem>>
        %dma_wait3A_294 = tpu.memref_squeeze %dma_wait3A_293 : memref<1x128xi32, #tpu.memory_space<vmem>> -> memref<128xi32, #tpu.memory_space<vmem>>
        %dma_wait3A_295 = arith.constant 0 : i32
        %dma_wait3A_296 = tpu.memref_slice %arg2[%dma_wait3A_295] : memref<524288xi32, #tpu.memory_space<hbm>> -> memref<128xi32, #tpu.memory_space<hbm>>
        %dma_wait3A_297 = arith.constant 0 : i32
        %dma_wait3A_298 = tpu.memref_slice %arg7[%dma_wait3A_291, %dma_wait3A_297] : memref<2x128xi32, #tpu.memory_space<vmem>> -> memref<1x128xi32, #tpu.memory_space<vmem>>
        %dma_wait3A_299 = tpu.memref_squeeze %dma_wait3A_298 : memref<1x128xi32, #tpu.memory_space<vmem>> -> memref<128xi32, #tpu.memory_space<vmem>>
        %dma_wait3A_300 = arith.constant 0 : i32
        %dma_wait3A_301 = tpu.memref_slice %arg2[%dma_wait3A_300] : memref<524288xi32, #tpu.memory_space<hbm>> -> memref<128xi32, #tpu.memory_space<hbm>>
        tpu.wait_dma2 semaphore(%arg13 : memref<!tpu.dma_semaphore, #tpu.memory_space<semaphore_mem>>) src(%dma_wait3A_301 : memref<128xi32, #tpu.memory_space<hbm>>) dst(%dma_wait3A_299 : memref<128xi32, #tpu.memory_space<vmem>>)
        %dma_wait3A_302 = arith.constant 1 : i32
        %dma_wait3A_303 = arith.constant 0 : i32
        %dma_wait3A_304 = tpu.memref_slice %arg8[%dma_wait3A_302, %dma_wait3A_303] : memref<2x128xi32, #tpu.memory_space<vmem>> -> memref<1x128xi32, #tpu.memory_space<vmem>>
        %dma_wait3A_305 = tpu.memref_squeeze %dma_wait3A_304 : memref<1x128xi32, #tpu.memory_space<vmem>> -> memref<128xi32, #tpu.memory_space<vmem>>
        %dma_wait3A_306 = arith.constant 0 : i32
        %dma_wait3A_307 = tpu.memref_slice %arg3[%dma_wait3A_306] : memref<524288xi32, #tpu.memory_space<hbm>> -> memref<128xi32, #tpu.memory_space<hbm>>
        %dma_wait3A_308 = arith.constant 0 : i32
        %dma_wait3A_309 = tpu.memref_slice %arg8[%dma_wait3A_302, %dma_wait3A_308] : memref<2x128xi32, #tpu.memory_space<vmem>> -> memref<1x128xi32, #tpu.memory_space<vmem>>
        %dma_wait3A_310 = tpu.memref_squeeze %dma_wait3A_309 : memref<1x128xi32, #tpu.memory_space<vmem>> -> memref<128xi32, #tpu.memory_space<vmem>>
        %dma_wait3A_311 = arith.constant 0 : i32
        %dma_wait3A_312 = tpu.memref_slice %arg3[%dma_wait3A_311] : memref<524288xi32, #tpu.memory_space<hbm>> -> memref<128xi32, #tpu.memory_space<hbm>>
        tpu.wait_dma2 semaphore(%arg13 : memref<!tpu.dma_semaphore, #tpu.memory_space<semaphore_mem>>) src(%dma_wait3A_312 : memref<128xi32, #tpu.memory_space<hbm>>) dst(%dma_wait3A_310 : memref<128xi32, #tpu.memory_space<vmem>>)
        %dma_start3A_313 = arith.constant 1 : i32
        %dma_start3A_314 = arith.constant 1 : i32
        %dma_start3A_315 = arith.constant 0 : i32
        %dma_start3A_316 = arith.constant 0 : i32
        %dma_start3A_317 = tpu.memref_slice %arg9[%dma_start3A_314, %dma_start3A_315, %dma_start3A_316] : memref<2x128x128xf32, #tpu.memory_space<vmem>> -> memref<1x128x128xf32, #tpu.memory_space<vmem>>
        %dma_start3A_318 = tpu.memref_squeeze %dma_start3A_317 : memref<1x128x128xf32, #tpu.memory_space<vmem>> -> memref<128x128xf32, #tpu.memory_space<vmem>>
        %dma_start3A_319 = arith.constant 0 : i32
        %dma_start3A_320 = tpu.memref_slice %arg7[%dma_start3A_313, %dma_start3A_319] : memref<2x128xi32, #tpu.memory_space<vmem>> -> memref<1x128xi32, #tpu.memory_space<vmem>>
        %dma_start3A_321 = tpu.memref_squeeze %dma_start3A_320 : memref<1x128xi32, #tpu.memory_space<vmem>> -> memref<128xi32, #tpu.memory_space<vmem>>
        %dma_start3A_322 = arith.constant 0 : i32
        %dma_start3A_323 = arith.constant 0 : i32
        %dma_start3A_324 = tpu.memref_slice %arg4[%dma_start3A_322, %dma_start3A_323] : memref<100000x128xf32, #tpu.memory_space<hbm>> -> memref<100000x128xf32, #tpu.memory_space<hbm>>
        tpu.enqueue_indirect_dma source(%dma_start3A_324 : memref<100000x128xf32, #tpu.memory_space<hbm>>) target(%dma_start3A_318 : memref<128x128xf32, #tpu.memory_space<vmem>>) offsets(%dma_start3A_321 : memref<128xi32, #tpu.memory_space<vmem>>) semaphore(%arg15 : memref<!tpu.dma_semaphore, #tpu.memory_space<semaphore_mem>>)
        %dma_start3A_325 = arith.constant 1 : i32
        %dma_start3A_326 = arith.constant 1 : i32
        %dma_start3A_327 = arith.constant 0 : i32
        %dma_start3A_328 = arith.constant 0 : i32
        %dma_start3A_329 = tpu.memref_slice %arg10[%dma_start3A_326, %dma_start3A_327, %dma_start3A_328] : memref<2x128x128xf32, #tpu.memory_space<vmem>> -> memref<1x128x128xf32, #tpu.memory_space<vmem>>
        %dma_start3A_330 = tpu.memref_squeeze %dma_start3A_329 : memref<1x128x128xf32, #tpu.memory_space<vmem>> -> memref<128x128xf32, #tpu.memory_space<vmem>>
        %dma_start3A_331 = arith.constant 0 : i32
        %dma_start3A_332 = tpu.memref_slice %arg8[%dma_start3A_325, %dma_start3A_331] : memref<2x128xi32, #tpu.memory_space<vmem>> -> memref<1x128xi32, #tpu.memory_space<vmem>>
        %dma_start3A_333 = tpu.memref_squeeze %dma_start3A_332 : memref<1x128xi32, #tpu.memory_space<vmem>> -> memref<128xi32, #tpu.memory_space<vmem>>
        %dma_start3A_334 = arith.constant 0 : i32
        %dma_start3A_335 = arith.constant 0 : i32
        %dma_start3A_336 = tpu.memref_slice %arg5[%dma_start3A_334, %dma_start3A_335] : memref<513x128xf32, #tpu.memory_space<hbm>> -> memref<513x128xf32, #tpu.memory_space<hbm>>
        tpu.enqueue_indirect_dma source(%dma_start3A_336 : memref<513x128xf32, #tpu.memory_space<hbm>>) target(%dma_start3A_330 : memref<128x128xf32, #tpu.memory_space<vmem>>) offsets(%dma_start3A_333 : memref<128xi32, #tpu.memory_space<vmem>>) semaphore(%arg17 : memref<!tpu.dma_semaphore, #tpu.memory_space<semaphore_mem>>)
      } else {
      }
      %scan3A_290 = arith.constant 0 : i32
      scf.yield %scan3A_290 : i32
    }
    %scan3A_138 = arith.constant 64 : i32
    %dma_wait3A_139 = arith.constant 0 : i32
    %dma_wait3A_140 = arith.constant 0 : i32
    %dma_wait3A_141 = arith.constant 0 : i32
    %dma_wait3A_142 = tpu.memref_slice %arg11[%dma_wait3A_139, %dma_wait3A_140, %dma_wait3A_141] : memref<2x128x128xf32, #tpu.memory_space<vmem>> -> memref<1x128x128xf32, #tpu.memory_space<vmem>>
    %dma_wait3A_143 = tpu.memref_squeeze %dma_wait3A_142 : memref<1x128x128xf32, #tpu.memory_space<vmem>> -> memref<128x128xf32, #tpu.memory_space<vmem>>
    %dma_wait3A_144 = arith.constant 0 : i32
    %dma_wait3A_145 = arith.constant 0 : i32
    %dma_wait3A_146 = tpu.memref_slice %arg6[%dma_wait3A_144, %dma_wait3A_145] : memref<524288x128xf32, #tpu.memory_space<hbm>> -> memref<128x128xf32, #tpu.memory_space<hbm>>
    %dma_wait3A_147 = arith.constant 0 : i32
    %dma_wait3A_148 = arith.constant 0 : i32
    %dma_wait3A_149 = tpu.memref_slice %arg6[%dma_wait3A_147, %dma_wait3A_148] : memref<524288x128xf32, #tpu.memory_space<hbm>> -> memref<128x128xf32, #tpu.memory_space<hbm>>
    %dma_wait3A_150 = arith.constant 0 : i32
    %dma_wait3A_151 = arith.constant 0 : i32
    %dma_wait3A_152 = tpu.memref_slice %arg11[%dma_wait3A_139, %dma_wait3A_150, %dma_wait3A_151] : memref<2x128x128xf32, #tpu.memory_space<vmem>> -> memref<1x128x128xf32, #tpu.memory_space<vmem>>
    %dma_wait3A_153 = tpu.memref_squeeze %dma_wait3A_152 : memref<1x128x128xf32, #tpu.memory_space<vmem>> -> memref<128x128xf32, #tpu.memory_space<vmem>>
    tpu.wait_dma2 semaphore(%arg18 : memref<!tpu.dma_semaphore, #tpu.memory_space<semaphore_mem>>) src(%dma_wait3A_153 : memref<128x128xf32, #tpu.memory_space<vmem>>) dst(%dma_wait3A_149 : memref<128x128xf32, #tpu.memory_space<hbm>>)
    %dma_wait3A_154 = arith.constant 1 : i32
    %dma_wait3A_155 = arith.constant 0 : i32
    %dma_wait3A_156 = arith.constant 0 : i32
    %dma_wait3A_157 = tpu.memref_slice %arg11[%dma_wait3A_154, %dma_wait3A_155, %dma_wait3A_156] : memref<2x128x128xf32, #tpu.memory_space<vmem>> -> memref<1x128x128xf32, #tpu.memory_space<vmem>>
    %dma_wait3A_158 = tpu.memref_squeeze %dma_wait3A_157 : memref<1x128x128xf32, #tpu.memory_space<vmem>> -> memref<128x128xf32, #tpu.memory_space<vmem>>
    %dma_wait3A_159 = arith.constant 0 : i32
    %dma_wait3A_160 = arith.constant 0 : i32
    %dma_wait3A_161 = tpu.memref_slice %arg6[%dma_wait3A_159, %dma_wait3A_160] : memref<524288x128xf32, #tpu.memory_space<hbm>> -> memref<128x128xf32, #tpu.memory_space<hbm>>
    %dma_wait3A_162 = arith.constant 0 : i32
    %dma_wait3A_163 = arith.constant 0 : i32
    %dma_wait3A_164 = tpu.memref_slice %arg6[%dma_wait3A_162, %dma_wait3A_163] : memref<524288x128xf32, #tpu.memory_space<hbm>> -> memref<128x128xf32, #tpu.memory_space<hbm>>
    %dma_wait3A_165 = arith.constant 0 : i32
    %dma_wait3A_166 = arith.constant 0 : i32
    %dma_wait3A_167 = tpu.memref_slice %arg11[%dma_wait3A_154, %dma_wait3A_165, %dma_wait3A_166] : memref<2x128x128xf32, #tpu.memory_space<vmem>> -> memref<1x128x128xf32, #tpu.memory_space<vmem>>
    %dma_wait3A_168 = tpu.memref_squeeze %dma_wait3A_167 : memref<1x128x128xf32, #tpu.memory_space<vmem>> -> memref<128x128xf32, #tpu.memory_space<vmem>>
    tpu.wait_dma2 semaphore(%arg19 : memref<!tpu.dma_semaphore, #tpu.memory_space<semaphore_mem>>) src(%dma_wait3A_168 : memref<128x128xf32, #tpu.memory_space<vmem>>) dst(%dma_wait3A_164 : memref<128x128xf32, #tpu.memory_space<hbm>>)
    return
  }
}

</mosaic_0001>

<sc_bundles>
// kernel: kernel.3.cloned.1.call-start
scs
__scs_entry_jumppad:
0x0: {  	(pc) =	sbr.rel $0x88, $3  }
0x1: {  	(tag) =	ssettag $0x0;
	lr =	simm.s32 $0x1  }
0x2: {  	[smem:$0x3F9D] =	sst lr;
	_ =	strace $0xD0000000  }
0x3: {  	_ = 	snop  }
0x4: {  	_ = 	snop  }
0x5: {  	_ = 	snop  }
0x6: {  	_ = 	snop  }
0x7: {  	_ = 	snop  }
__scs_overlays_trampoline_lowered:
0x8: {  	[smem:$0x3FAC] =	sst s0  }
0x9: {  	[smem:$0x3FAD] =	sst s1  }
0xa: {  	[smem:$0x3FAE] =	sst s2  }
0xb: {  	[smem:$0x3FAF] =	sst s3  }
0xc: {  	[smem:$0x3FB0] =	sst s4  }
0xd: {  	[smem:$0x3FB1] =	sst s5  }
0xe: {  	[smem:$0x3FB2] =	sst s6  }
0xf: {  	[smem:$0x3FB3] =	sst s7  }
0x10: {  	[smem:$0x3FB4] =	sst s8  }
0x11: {  	[smem:$0x3FB5] =	sst s9;
	s0 =	simm.s32 @!p0 $0x0  }
0x12: {  	s1 =	sld [smem:$0x3F9B];
	s0 =	simm.s32 @p0 $0x1  }
0x13: {  	[smem:$0x3FB6] =	sst s0;
	s0 =	simm.s32 @!p1 $0x0  }
0x14: {  	s2 =	sld [smem:$0x3F9A];
	s0 =	simm.s32 @p1 $0x1  }
0x15: {  	[smem:$0x3FB7] =	sst s0;
	s0 =	simm.s32 @!p2 $0x0  }
0x16: {  	s3 =	sld [smem:$0x3FDB];
	s0 =	simm.s32 @p2 $0x1  }
0x17: {  	s4 =	simm.s32 $0x1BF5;
	[smem:$0x3FB9] =	sst s0  }
0x18: {  	s0 =	sld [smem:$0x3F9C];
	_ =	swait.ge [sflag:s4], $0x0  }
0x19: {  	s7 =	sld [smem:$0x3F9D]  }
0x1a: {  	s8 =	sadd.s32 $0xFFFFE003, lr  }
0x1b: {  	s9 =	sadd.s32 $0xFFFFFEF7, lr;
	s5 =	simm.s32 $0xFFFFFFFF;
	p2 =	slt.u32 s8, $0xFFFFF086  }
0x1c: {  	p1 =	slt.u32 s9, $0xF7A;
	s5 =	simm.s32 @!p2 $0x0  }
0x1d: {  	s5 =	simm.s32 @p1 $0x1;
	p0 =	seq.s32 s7, s2  }
0x1e: {  	s7 =	smul.u32 @!p0 $0xF7A, s2;
	p2 =	seq.s32 @!p0 s5, $0x0  }
0x1f: {  	s9 =	smul.u32 $0xF7A, s1;
	s8 =	simm.s32 @!p0 $0x1BF5;
	p2 =	por !p2, p0  }
0x20: {  	[sflag:s8] =	ssyncset.s32 @!p0 $0xFFFFF086;
	s6 =	sadd.s32 @!p0 s3, s7;
	s7 =	simm.s32 @!p0 $0x108  }
0x21: {  	s3 =	sadd.s32 s3, s9;
	s6 =	sadd.s32 @!p0 $0x88, s6;
	s7 =	simm.s32 @p2 $0x1082  }
0x22: {  	[simem:s7], [sflag:s8] =	dma.local @!p0 [hbm:s6], $0xF7A  }
0x23: {  	s9 =	sor.u32 $0xD0000000, s2;
	s6 =	simm.s32 $0x108;
	_ =	swait.ge @!p0 [sflag:s8], $0x0  }
0x24: {  	s3 =	sadd.s32 $0x88, s3;
	s6 =	simm.s32 @!p1 $0x1082;
	[sflag:s4] =	ssyncset.s32 $0xFFFFF086  }
0x25: {  	[simem:s6], [sflag:s4] =	dma.local [hbm:s3], $0xF7A  }
0x26: {  	[smem:$0x3F9D] =	sst s1;
	(tag) =	ssettag s2;
	_ =	strace s9  }
0x27: {  	s1 =	sld [smem:$0x3FAD]  }
0x28: {  	s2 =	sld [smem:$0x3FAE]  }
0x29: {  	s4 =	sld [smem:$0x3FB0]  }
0x2a: {  	p0 =	seq.s32 s5, $0x0;
	s5 =	sld [smem:$0x3FB1]  }
0x2b: {  	s6 =	sld [smem:$0x3FB2]  }
0x2c: {  	s7 =	sld [smem:$0x3FB3]  }
0x2d: {  	s3 =	simm.s32 $0x108;
	s8 =	sld [smem:$0x3FB4]  }
0x2e: {  	s3 =	simm.s32 @!p0 $0x1082;
	s9 =	sld [smem:$0x3FB5]  }
0x2f: {  	lr =	sadd.s32 s0, s3;
	s0 =	sld [smem:$0x3FAC]  }
0x30: {  	s3 =	sld [smem:$0x3FAF]  }
0x31: {  	[smem:$0x3FB8] =	sst s10  }
0x32: {  	s10 =	sld [smem:$0x3FB6];
	_ =	sdelay $0x3  }
0x33: {  	p0 =	seq.s32 s10, $0x1;
	s10 =	sld [smem:$0x3FB8];
	_ =	sdelay $0x3  }
0x34: {  	[smem:$0x3FB8] =	sst s10  }
0x35: {  	s10 =	sld [smem:$0x3FB7];
	_ =	sdelay $0x3  }
0x36: {  	p1 =	seq.s32 s10, $0x1;
	s10 =	sld [smem:$0x3FB8];
	_ =	sdelay $0x3  }
0x37: {  	[smem:$0x3FB8] =	sst s10  }
0x38: {  	s10 =	sld [smem:$0x3FB9]  }
0x39: {  	_ = 	snop;
	(pc) =	sbr.ind lr, $3  }
0x3a: {  	_ = 	snop  }
0x3b: {  	_ = 	snop  }
0x3c: {  	p2 =	seq.s32 s10, $0x1;
	s10 =	sld [smem:$0x3FB8]  }
0x3d: {  	_ =	shalt  }
0x3e: {  	_ =	shalt  }
0x3f: {  	_ =	shalt  }
0x40: {  	_ =	shalt  }
0x41: {  	_ =	shalt  }
0x42: {  	_ =	shalt  }
0x43: {  	_ =	shalt  }
0x44: {  	_ =	shalt  }
0x45: {  	_ =	shalt  }
0x46: {  	_ =	shalt  }
0x47: {  	_ =	shalt  }
0x48: {  	_ =	shalt  }
0x49: {  	_ =	shalt  }
0x4a: {  	_ =	shalt  }
0x4b: {  	_ =	shalt  }
0x4c: {  	_ =	shalt  }
0x4d: {  	_ =	shalt  }
0x4e: {  	_ =	shalt  }
0x4f: {  	_ =	shalt  }
0x50: {  	_ =	shalt  }
0x51: {  	_ =	shalt  }
0x52: {  	_ =	shalt  }
0x53: {  	_ =	shalt  }
0x54: {  	_ =	shalt  }
0x55: {  	_ =	shalt  }
0x56: {  	_ =	shalt  }
0x57: {  	_ =	shalt  }
0x58: {  	_ =	shalt  }
0x59: {  	_ =	shalt  }
0x5a: {  	_ =	shalt  }
0x5b: {  	_ =	shalt  }
0x5c: {  	_ =	shalt  }
0x5d: {  	_ =	shalt  }
0x5e: {  	_ =	shalt  }
0x5f: {  	_ =	shalt  }
0x60: {  	_ =	shalt  }
0x61: {  	_ =	shalt  }
0x62: {  	_ =	shalt  }
0x63: {  	_ =	shalt  }
0x64: {  	_ =	shalt  }
0x65: {  	_ =	shalt  }
0x66: {  	_ =	shalt  }
0x67: {  	_ =	shalt  }
0x68: {  	_ =	shalt  }
0x69: {  	_ =	shalt  }
0x6a: {  	_ =	shalt  }
0x6b: {  	_ =	shalt  }
0x6c: {  	_ =	shalt  }
0x6d: {  	_ =	shalt  }
0x6e: {  	_ =	shalt  }
0x6f: {  	_ =	shalt  }
0x70: {  	_ =	shalt  }
0x71: {  	_ =	shalt  }
0x72: {  	_ =	shalt  }
0x73: {  	_ =	shalt  }
0x74: {  	_ =	shalt  }
0x75: {  	_ =	shalt  }
0x76: {  	_ =	shalt  }
0x77: {  	_ =	shalt  }
0x78: {  	_ =	shalt  }
0x79: {  	_ =	shalt  }
0x7a: {  	_ =	shalt  }
0x7b: {  	_ =	shalt  }
0x7c: {  	_ =	shalt  }
0x7d: {  	_ =	shalt  }
0x7e: {  	_ =	shalt  }
0x7f: {  	_ =	shalt  }
0x80: {  	_ =	shalt  }
0x81: {  	_ =	shalt  }
0x82: {  	_ =	shalt  }
0x83: {  	_ =	shalt  }
0x84: {  	_ =	shalt  }
0x85: {  	_ =	shalt  }
0x86: {  	_ =	shalt  }
0x87: {  	_ =	shalt  }
.Lfunc_end0:
.L_simem_size_0:
called_computation_lowered:
.L_overlay_start_0:
0x88: {  	s2 =	sld [smem:$0x3FD9]  }
0x89: {  	s3 =	sld [smem:$0x3FFE];
	_ =	sdelay $0x1  }
0x8a: {  	s1 =	srdreg.scid  }
0x8b: {  	s0 =	sand.u32 $0x1, s1  }
0x8c: {  	s17 =	sshll.u32 s0, $0xA;
	s2 =	sadd.s32 s3, s2  }
0x8d: {  	s2 =	sadd.s32 s2, s17  }
0x8e: {  	[smem:$0x3FC4] =	sst s2  }
0x8f: {  	_ = 	snop  }
0x90: {  	s2 =	sld [smem:$0x3FC7]  }
0x91: {  	s18 =	sld [smem:$0x3FC6]  }
0x92: {  	s4 =	sld [smem:$0x3FD0];
	(tm) =	ssettm $0x1  }
0x93: {  	s5 =	sld [smem:$0x3FFB];
	_ =	sdelay $0x3  }
0x94: {  	_ =	strace s5  }
0x95: {  	s5 =	sld [smem:$0x3FFC];
	_ =	sdelay $0x3  }
0x96: {  	_ =	strace s5  }
0x97: {  	s5 =	sld [smem:$0x3FFD];
	_ =	sdelay $0x3  }
0x98: {  	_ =	strace s5  }
0x99: {  	_ =	strace $0x8FFFFFFF  }
0x9a: {  	s19 =	sld [smem:$0x3FDB];
	_ =	sdelay $0x1  }
0x9b: {  	s6 =	simm.s32 $_scs_section_size  }
0x9c: {  	s7 =	simm.s32 $_size__tile_overlayer_lowered;
	s8 =	simm.s32 $_tile_overlayer_lowered  }
0x9d: {  	s22 =	simm.s32 $0x1BFF;
	s21 =	sshll.u32 s8, $0x1;
	s5 =	sadd.s32 s6, s19  }
0x9e: {  	s9 =	simm.s32 $0x0;
	s20 =	sshll.u32 s7, $0x1;
	s7 =	sadd.s32 s21, s5  }
0x9f: {  	[timem:s9], [sflag:s22] =	dma.local [hbm:s7], s20  }
0xa0: {  	_ =	swait.ge [sflag:s22], s20  }
0xa1: {  	s6 =	ssub.s32 $0x0, s20;
	[sflag:s22] =	ssyncset.done $0x0  }
0xa2: {  	[sflag:s22] =	ssyncadd.s32 s6;
	_ =	sdelay $0x1  }
0xa3: {  	s23 =	simm.s32 $0x1B8B  }
0xa4: {  	_ =	swait.ge [sflag:s23], $0x1  }
0xa5: {  	[sflag:s23] =	ssyncset.done $0x0  }
0xa6: {  	s25 =	simm.s32 $0x1B8E;
	s24 =	sld [smem:$0x3FFE];
	[sflag:s23] =	ssyncadd.s32 $0xFFFFFFFF  }
0xa7: {  	s26 =	simm.s32 $execute0_lowered;
	[smem:$0x3FD2] =	sst s25  }
0xa8: {  	s7 =	sshll.u32 s26, $0x1;
	_ =	strace $0x80000046;
	[dreg:$0x1] =	wrdreg $0xFFFFFFFF  }
0xa9: {  	s28 =	simm.s32 $_size_execute0_lowered;
	s5 =	sadd.s32 s5, s7;
	[dreg:$0x0] =	wrdreg $0x0  }
0xaa: {  	s7 =	sshll.u32 s28, $0x1;
	[dreg:$0x2] =	wrdreg s5  }
0xab: {  	[dreg:$0x3] =	wrdreg s7  }
0xac: {  	[dreg:$0x4] =	wrdreg $0xC0  }
0xad: {  	_ =	task [dreg:s9], $0x5FFFF  }
0xae: {  	[dreg:$0x1] =	wrdreg $0xFFFFFFFF  }
0xaf: {  	[dreg:$0x0] =	wrdreg $0x60  }
0xb0: {  	[dreg:$0x2] =	wrdreg s24  }
0xb1: {  	[dreg:$0x3] =	wrdreg s2  }
0xb2: {  	[dreg:$0x4] =	wrdreg s18  }
0xb3: {  	[dreg:$0x5] =	wrdreg s4  }
0xb4: {  	[dreg:$0x6] =	wrdreg $0x9  }
0xb5: {  	_ =	task.clear_ibuf [dreg:s9], $0x7FFFF;
	_ =	strace $0x90000046  }
0xb6: {  	s29 =	simm.s32 $0x9;
	_ =	strace $0x80000048  }
0xb7: {  	_ =	swait.ge [sflag:s29], $0x1  }
0xb8: {  	[sflag:s29] =	ssyncadd.s32 $0xFFFFFFFF  }
0xb9: {  	_ =	strace $0x90000048  }
0xba: {  	_ =	sfence  }
0xbb: {  	s30 =	sld [smem:$0x0];
	_ =	sdelay $0x2  }
0xbc: {  	s31 =	sshll.u32 s1, $0xD;
	s1 =	sshrl.u32 s1, $0x2  }
0xbd: {  	s3 =	sand.u32 $0x4000, s31;
	s1 =	sadd.s32 s1, s30  }
0xbe: {  	s0 =	sor.u32 s3, s0;
	s1 =	sshll.u32 s1, $0x11  }
0xbf: {  	s0 =	sor.u32 s1, s0  }
0xc0: {  	s0 =	sadd.s32 $0x8F2B, s0  }
0xc1: {  	[sflag:s0] =	ssyncadd.remote.s32 $0x1  }
0xc2: {  	_ =	sfence.sel $0xFFFF  }
0xc3: {  	[dreg:$0x0] =	wrdreg $0xFFFFFFFF;
	(pc) =	sbr.abs _section_cstart, $3  }
0xc4: {  	[dreg:$0x1] =	wrdreg $0xFFFFFFFF  }
0xc5: {  	_ =	task.clear_ibuf [dreg:s9], $0x2FFFF;
	_ =	strace $0x9FFFFFFF  }
0xc6: {  	(tm) =	ssettm $0x7FFFFFFF  }
0xc7: {  	_ =	shalt  }
tec
execute0_lowered:
.L_overlay_start_1:
0x0: {  	(tag) =	ssettag $0x1  }
0x1: {  	s0 =	rddreg [dreg:$0x0]  }
0x2: {  	s1 =	rddreg [dreg:$0x1]  }
0x3: {  	s2 =	rddreg [dreg:$0x2]  }
0x4: {  	s10 =	rddreg [dreg:$0x3]  }
0x5: {  	s3 =	srdreg.scid;
	s5 =	simm.s32 $0x0;
	s4 =	stileid.u32  }
0x6: {  	s18 =	simm.s32 $0x80;
	s19 =	simm.s32 $0x180;
	s28 =	simm.s32 $0x5  }
0x7: {  	s29 =	simm.s32 $0x10200;
	s30 =	simm.s32 $0x4;
	s31 =	simm.s32 $0x6  }
0x8: {  	s3 =	sand.u32 $0x1, s3;
	[smem:$0x7FF] =	sst s5;
	s4 =	sshll.u32 s4, $0xF  }
0x9: {  	s7 =	sadd.s32 $0x600, s0;
	s6 =	sshll.u32 s3, $0xE;
	s3 =	ssub.s32 $0x2, s3  }
0xa: {  	s8 =	sadd.s32 $0x10600, s0;
	s6 =	sor.u32 s6, s4;
	s20 =	sshrl.u32 s3, $0x1  }
0xb: {  	_ =	strace $0x80000047;
	s9 =	sshrl.u32 s6, $0x3;
	s21 =	ssub.s32 s3, s20  }
0xc: {  	s13 =	sor.u32 $0x100, s6;
	s26 =	sshll.u32 s6, $0x4;
	s15 =	sor.u32 $0x180, s6  }
0xd: {  	s22 =	sor.u32 $0x10, s9;
	s23 =	sadd.s32 s7, s9;
	s24 =	sadd.s32 s8, s9  }
.Ltmp0:
0xe: {  	s14 =	sadd.s32 s10, s26;
	[dreg:$0x5] =	wrdreg s23;
	(pc) =	sbr.rel .LBB2_1-.Ltmp0, $4  }
0xf: {  	s0 =	smax.u32 s21, $0x1;
	s26 =	simm.s32 $0x3;
	[dreg:$0x6] =	wrdreg s24  }
0x10: {  	s10 =	simm.s32 $0x0;
	s25 =	sadd.s32 s7, s22;
	[dreg:$0x9] =	wrdreg s0  }
0x11: {  	s3 =	sadd.s32 s8, s22;
	s23 =	simm.s32 $0x2;
	[dreg:$0x7] =	wrdreg s25  }
0x12: {  	s0 =	simm.s32 $0x14200;
	[dreg:$0x8] =	wrdreg s3;
	s3 =	simm.s32 $0x7  }
.LBB2_11:
0x13: {  	_ =	swait.ge [sflag:s3], $0x4000  }
0x14: {  	[sflag:s3] =	ssyncset.done $0x0  }
0x15: {  	s9 =	simm.s32 $0x8;
	[sflag:s3] =	ssyncadd.s32 $0xFFFFC000  }
0x16: {  	_ =	swait.ge [sflag:s9], $0x4000  }
0x17: {  	s10 =	rddreg [dreg:$0xa]  }
0x18: {  	s4 =	rddreg [dreg:$0x9];
	s10 =	sadd.s32 $0x1, s10  }
0x19: {  	p0 =	sne.s32 s10, s4  }
.Ltmp1:
0x1a: {  	_ = 	snop;
	(pc) =	sbr.rel @!p0 .LBB2_12-.Ltmp1, $3  }
0x1b: {  	_ =	sdelay $0x1  }
0x1c: {  	[sflag:s9] =	ssyncset.done $0x0  }
0x1d: {  	[sflag:s9] =	ssyncadd.s32 $0xFFFFC000  }
.LBB2_1:
0x1e: {  	[dreg:$0xa] =	wrdreg s10  }
0x1f: {  	s4 =	rddreg [dreg:$0x5]  }
0x20: {  	[tilespmem:s5], [sflag:$0x1] =	stream.linear.gather [hbm4b:s4+s5], $0x80, $0x38;
	[tilespmem:$0x18200] =	vst v63  }
0x21: {  	s12 =	rddreg [dreg:$0x6];
	s9 =	simm.s32 $0x100  }
0x22: {  	[tilespmem:s9], [sflag:$0x1] =	stream.linear.gather [hbm4b:s12+s5], $0x80, $0x38;
	[tilespmem:$0x18200] =	vst v63  }
0x23: {  	s16 =	rddreg [dreg:$0x7]  }
0x24: {  	[tilespmem:s18], [sflag:$0x2] =	stream.linear.gather [hbm4b:s16+s5], $0x80, $0x38;
	[tilespmem:$0x18200] =	vst v63  }
0x25: {  	s17 =	rddreg [dreg:$0x8];
	s20 =	simm.s32 $0x1  }
0x26: {  	[tilespmem:s19], [sflag:$0x2] =	stream.linear.gather [hbm4b:s17+s5], $0x80, $0x38;
	[tilespmem:$0x18200] =	vst v63  }
0x27: {  	_ =	swait.ge [sflag:s20], $0x80  }
0x28: {  	[sflag:s20] =	ssyncset.done $0x0  }
0x29: {  	[sflag:s20] =	ssyncadd.s32 $0xFFFFFF80  }
0x2a: {  	_ =	swait.ge [sflag:s20], $0x80  }
0x2b: {  	[sflag:s20] =	ssyncset.done $0x0  }
0x2c: {  	s21 =	simm.s32 $0x200;
	[sflag:s20] =	ssyncadd.s32 $0xFFFFFF80  }
0x2d: {  	[tilespmem:s21], [sflag:$0x3] =	stream.indirect.gather [hbm4b:s1+s18], $0x80, s5, s18, $0xb8;
	[tilespmem:$0x18200] =	vst v63  }
0x2e: {  	s22 =	simm.s32 $0x8200  }
0x2f: {  	[tilespmem:s22], [sflag:$0x5] =	stream.indirect.gather [hbm4b:s2+s18], $0x80, s9, s18, $0xb8;
	[tilespmem:$0x18200] =	vst v63  }
0x30: {  	_ =	swait.ge [sflag:s23], $0x80  }
0x31: {  	[sflag:s23] =	ssyncset.done $0x0  }
0x32: {  	[sflag:s23] =	ssyncadd.s32 $0xFFFFFF80  }
0x33: {  	_ =	swait.ge [sflag:s23], $0x80  }
0x34: {  	[sflag:s23] =	ssyncset.done $0x0  }
0x35: {  	s24 =	simm.s32 $0x4200;
	[sflag:s23] =	ssyncadd.s32 $0xFFFFFF80  }
0x36: {  	[tilespmem:s24], [sflag:$0x4] =	stream.indirect.gather [hbm4b:s1+s18], $0x80, s18, s18, $0xb8;
	[tilespmem:$0x18200] =	vst v63  }
0x37: {  	s25 =	simm.s32 $0xC200;
	s17 =	simm.s32 $0x0  }
0x38: {  	[tilespmem:s25], [sflag:$0x6] =	stream.indirect.gather [hbm4b:s2+s18], $0x80, s19, s18, $0xb8;
	[tilespmem:$0x18200] =	vst v63  }
.LBB2_2:
0x39: {  	_ =	swait.ge [sflag:s26], $0x4000  }
0x3a: {  	p0 =	seq.s32 s17, $0x3F;
	[sflag:s26] =	ssyncset.done $0x0  }
0x3b: {  	s9 =	sshll.u32 s17, $0x8;
	p1 =	seq.s32 @!p0 s17, $0x0;
	[sflag:s26] =	ssyncadd.s32 $0xFFFFC000  }
0x3c: {  	s4 =	sadd.s32 @!p0 s9, s13;
	p1 =	por p0, !p1;
	_ =	swait.ge [sflag:s28], $0x4000  }
.Ltmp2:
0x3d: {  	s4 =	sshrl.u32 @!p0 s4, $0x3;
	[sflag:s28] =	ssyncset.done $0x0;
	(pc) =	sbr.rel @!p1 .LBB2_3-.Ltmp2, $4  }
0x3e: {  	s11 =	simm.s32 @!p0 $0x0;
	s10 =	sadd.s32 @!p0 s7, s4;
	[sflag:s28] =	ssyncadd.s32 $0xFFFFC000  }
0x3f: {  	[tilespmem:s11], [sflag:$0x1] =	stream.linear.gather @!p0 [hbm4b:s10+s11], $0x80, $0x38;
	[tilespmem:$0x18200] =	vst v63  }
0x40: {  	s4 =	sadd.s32 @!p0 s8, s4;
	s10 =	simm.s32 @!p0 $0x100  }
0x41: {  	[tilespmem:s10], [sflag:$0x1] =	stream.linear.gather @!p0 [hbm4b:s4+s11], $0x80, $0x38;
	[tilespmem:$0x18200] =	vst v63  }
.Ltmp3:
0x42: {  	(pc) =	sbr.rel .LBB2_5-.Ltmp3, $4  }
0x43: {  	_ = 	snop  }
0x44: {  	_ =	swait.ge [sflag:s3], $0x4000  }
0x45: {  	[sflag:s3] =	ssyncset.done $0x0  }
0x46: {  	p1 =	por $0x0, $0x0;
	[sflag:s3] =	ssyncadd.s32 $0xFFFFC000  }
.LBB2_3:
0x47: {  	p1 =	por @!p0 $0x1, $0x1  }
.LBB2_5:
0x48: {  	s24 =	simm.s32 $0x280  }
0x49: {  	s4 =	simm.s32 $0x8280;
	v0 =	vld [tilespmem:s24+$0x0]  }
0x4a: {  	v1 =	vld [tilespmem:s4+$0x0];
	_ =	sdelay $0x4  }
0x4b: {  	v0 =	vadd.f32 v1, v0  }
0x4c: {  	s10 =	simm.s32 $0x10280  }
0x4d: {  	[tilespmem:s10+$0x0] =	vst v0  }
0x4e: {  	v0 =	vld [tilespmem:s24+$0x10]  }
0x4f: {  	v1 =	vld [tilespmem:s4+$0x10]  }
0x50: {  	v2 =	vld [tilespmem:s4+$0xFFFFFF80]  }
0x51: {  	v3 =	vld [tilespmem:s24+$0xFFFFFF80];
	_ =	sdelay $0x2  }
0x52: {  	v0 =	vadd.f32 v1, v0;
	_ =	sdelay $0x1  }
0x53: {  	[tilespmem:s10+$0x10] =	vst v0;
	v0 =	vadd.f32 v2, v3  }
0x54: {  	v1 =	vld [tilespmem:s24+$0x20]  }
0x55: {  	v2 =	vld [tilespmem:s4+$0x20];
	[tilespmem:s10+$0xFFFFFF80] =	vst v0  }
0x56: {  	v0 =	vld [tilespmem:s24+$0xFFFFFF90]  }
0x57: {  	v3 =	vld [tilespmem:s4+$0xFFFFFF90];
	_ =	sdelay $0x2  }
0x58: {  	v1 =	vadd.f32 v2, v1;
	_ =	sdelay $0x1  }
0x59: {  	[tilespmem:s10+$0x20] =	vst v1;
	v0 =	vadd.f32 v3, v0  }
0x5a: {  	v1 =	vld [tilespmem:s24+$0x30]  }
0x5b: {  	v2 =	vld [tilespmem:s4+$0x30];
	[tilespmem:s10+$0xFFFFFF90] =	vst v0  }
0x5c: {  	v0 =	vld [tilespmem:s24+$0xFFFFFFA0]  }
0x5d: {  	s12 =	simm.s32 $0x380;
	v3 =	vld [tilespmem:s4+$0xFFFFFFA0]  }
0x5e: {  	s16 =	simm.s32 $0x8380;
	v4 =	vld [tilespmem:s12+$0x0]  }
0x5f: {  	v5 =	vld [tilespmem:s16+$0x0]  }
0x60: {  	v6 =	vld [tilespmem:s12+$0xFFFFFF80];
	v1 =	vadd.f32 v2, v1  }
0x61: {  	v2 =	vld [tilespmem:s16+$0xFFFFFF80]  }
0x62: {  	[tilespmem:s10+$0x30] =	vst v1;
	v0 =	vadd.f32 v3, v0  }
0x63: {  	v1 =	vld [tilespmem:s24+$0x40]  }
0x64: {  	v3 =	vld [tilespmem:s4+$0x40];
	[tilespmem:s10+$0xFFFFFFA0] =	vst v0;
	v0 =	vadd.f32 v5, v4  }
0x65: {  	s11 =	simm.s32 $0x10380;
	v4 =	vld [tilespmem:s24+$0xFFFFFFB0]  }
0x66: {  	v5 =	vld [tilespmem:s4+$0xFFFFFFB0];
	v2 =	vadd.f32 v2, v6;
	[tilespmem:s11+$0x0] =	vst v0  }
0x67: {  	v0 =	vld [tilespmem:s12+$0x10]  }
0x68: {  	[tilespmem:s11+$0xFFFFFF80] =	vst v2;
	v2 =	vld [tilespmem:s16+$0x10]  }
0x69: {  	v1 =	vadd.f32 v3, v1;
	v3 =	vld [tilespmem:s12+$0xFFFFFF90]  }
0x6a: {  	v6 =	vld [tilespmem:s16+$0xFFFFFF90]  }
0x6b: {  	[tilespmem:s10+$0x40] =	vst v1;
	v1 =	vadd.f32 v5, v4  }
0x6c: {  	v4 =	vld [tilespmem:s24+$0x50]  }
0x6d: {  	v5 =	vld [tilespmem:s4+$0x50];
	[tilespmem:s10+$0xFFFFFFB0] =	vst v1;
	v0 =	vadd.f32 v2, v0  }
0x6e: {  	v1 =	vld [tilespmem:s24+$0xFFFFFFC0]  }
0x6f: {  	v2 =	vld [tilespmem:s4+$0xFFFFFFC0];
	v3 =	vadd.f32 v6, v3;
	[tilespmem:s11+$0x10] =	vst v0  }
0x70: {  	v0 =	vld [tilespmem:s12+$0x20]  }
0x71: {  	[tilespmem:s11+$0xFFFFFF90] =	vst v3;
	v3 =	vld [tilespmem:s16+$0x20]  }
0x72: {  	v4 =	vadd.f32 v5, v4;
	v5 =	vld [tilespmem:s12+$0xFFFFFFA0]  }
0x73: {  	v6 =	vld [tilespmem:s16+$0xFFFFFFA0]  }
0x74: {  	s22 =	simm.s32 $0x8480  }
0x75: {  	v8 =	vld [tilespmem:s22+$0x0];
	[tilespmem:s10+$0x50] =	vst v4  }
0x76: {  	v1 =	vadd.f32 v2, v1;
	v2 =	vld [tilespmem:s24+$0x60];
	v0 =	vadd.f32 v3, v0  }
0x77: {  	s21 =	simm.s32 $0x480;
	v4 =	vld [tilespmem:s4+$0x60]  }
0x78: {  	v9 =	vld [tilespmem:s21+$0xFFFFFF80];
	v5 =	vadd.f32 v6, v5;
	[tilespmem:s11+$0x20] =	vst v0  }
0x79: {  	[tilespmem:s10+$0xFFFFFFC0] =	vst v1;
	v0 =	vld [tilespmem:s12+$0x30]  }
0x7a: {  	[tilespmem:s11+$0xFFFFFFA0] =	vst v5;
	v5 =	vld [tilespmem:s16+$0x30]  }
0x7b: {  	v1 =	vld [tilespmem:s24+$0xFFFFFFD0]  }
0x7c: {  	v3 =	vld [tilespmem:s4+$0xFFFFFFD0];
	v2 =	vadd.f32 v4, v2  }
0x7d: {  	v6 =	vld [tilespmem:s21+$0x0]  }
0x7e: {  	v4 =	vld [tilespmem:s12+$0xFFFFFFB0];
	[tilespmem:s10+$0x60] =	vst v2  }
0x7f: {  	v2 =	vld [tilespmem:s24+$0x70];
	v0 =	vadd.f32 v5, v0  }
0x80: {  	v7 =	vld [tilespmem:s4+$0x70]  }
0x81: {  	v5 =	vld [tilespmem:s22+$0xFFFFFF80];
	[tilespmem:s11+$0x30] =	vst v0  }
0x82: {  	v0 =	vadd.f32 v3, v1;
	v1 =	vld [tilespmem:s12+$0x40]  }
0x83: {  	v3 =	vld [tilespmem:s16+$0x40]  }
0x84: {  	[tilespmem:s10+$0xFFFFFFD0] =	vst v0;
	v0 =	vadd.f32 v8, v6;
	v6 =	vld [tilespmem:s16+$0xFFFFFFB0]  }
0x85: {  	s20 =	simm.s32 $0x10480;
	v8 =	vld [tilespmem:s24+$0xFFFFFFE0]  }
0x86: {  	v5 =	vadd.f32 v5, v9;
	[tilespmem:s20+$0x0] =	vst v0;
	v0 =	vld [tilespmem:s4+$0xFFFFFFE0]  }
0x87: {  	v61 =	vld [tilespmem:s21+$0x10]  }
0x88: {  	[tilespmem:s20+$0xFFFFFF80] =	vst v5;
	v5 =	vld [tilespmem:s22+$0x10];
	v1 =	vadd.f32 v3, v1  }
0x89: {  	v3 =	vld [tilespmem:s21+$0xFFFFFF90]  }
0x8a: {  	v4 =	vadd.f32 v6, v4;
	v6 =	vld [tilespmem:s22+$0xFFFFFF90];
	[tilespmem:s11+$0x40] =	vst v1  }
0x8b: {  	v1 =	vld [tilespmem:s12+$0x50]  }
0x8c: {  	[tilespmem:s11+$0xFFFFFFB0] =	vst v4;
	v0 =	vadd.f32 v0, v8;
	v4 =	vld [tilespmem:s16+$0x50]  }
0x8d: {  	v5 =	vadd.f32 v5, v61;
	v8 =	vld [tilespmem:s12+$0xFFFFFFC0]  }
0x8e: {  	v62 =	vld [tilespmem:s16+$0xFFFFFFC0];
	[tilespmem:s10+$0xFFFFFFE0] =	vst v0  }
0x8f: {  	v3 =	vadd.f32 v6, v3;
	[tilespmem:s20+$0x10] =	vst v5;
	v0 =	vld [tilespmem:s24+$0xFFFFFFF0]  }
0x90: {  	v5 =	vld [tilespmem:s21+$0x20]  }
0x91: {  	[tilespmem:s20+$0xFFFFFF90] =	vst v3;
	v3 =	vld [tilespmem:s22+$0x20];
	v1 =	vadd.f32 v4, v1  }
0x92: {  	v6 =	vld [tilespmem:s21+$0xFFFFFFA0]  }
0x93: {  	v10 =	vld [tilespmem:s22+$0xFFFFFFA0];
	v4 =	vadd.f32 v62, v8;
	[tilespmem:s11+$0x50] =	vst v1  }
0x94: {  	v8 =	vld [tilespmem:s12+$0x60]  }
0x95: {  	[tilespmem:s11+$0xFFFFFFC0] =	vst v4;
	v63 =	vld [tilespmem:s16+$0x60]  }
0x96: {  	v4 =	vld [tilespmem:s16+$0xFFFFFFD0];
	v1 =	vadd.f32 v3, v5  }
0x97: {  	v3 =	vld [tilespmem:s12+$0xFFFFFFD0]  }
0x98: {  	v5 =	vadd.f32 v10, v6;
	[tilespmem:s20+$0x20] =	vst v1;
	v1 =	vld [tilespmem:s4+$0xFFFFFFF0]  }
0x99: {  	v2 =	vadd.f32 v7, v2;
	v6 =	vld [tilespmem:s21+$0x30]  }
0x9a: {  	[tilespmem:s20+$0xFFFFFFA0] =	vst v5;
	v7 =	vld [tilespmem:s22+$0x30];
	v5 =	vadd.f32 v63, v8  }
0x9b: {  	s25 =	simm.s32 $0x580;
	[tilespmem:s10+$0x70] =	vst v2;
	s24 =	simm.s32 $0x4;
	s4 =	simm.s32 $0x8480;
	v2 =	vld [tilespmem:s21+$0xFFFFFFB0]  }
.LBB2_6:
0x9c: {  	v8 =	vld [tilespmem:s25+$0x0];
	v3 =	vadd.f32 v4, v3;
	[tilespmem:s11+$0x60] =	vst v5  }
0x9d: {  	v4 =	vld [tilespmem:s12+$0x70];
	v0 =	vadd.f32 v1, v0  }
0x9e: {  	s22 =	sadd.s32 $0x100, s22;
	[tilespmem:s11+$0xFFFFFFD0] =	vst v3;
	v1 =	vld [tilespmem:s16+$0x70]  }
0x9f: {  	v3 =	vld [tilespmem:s22+$0x0];
	v5 =	vadd.f32 v7, v6;
	[tilespmem:s10+$0xFFFFFFF0] =	vst v0;
	s10 =	smov.u32 s11;
	s11 =	smov.u32 s20  }
0xa0: {  	v0 =	vld [tilespmem:s22+$0xFFFFFF80]  }
0xa1: {  	v6 =	vld [tilespmem:s25+$0xFFFFFF80];
	[tilespmem:s20+$0x30] =	vst v5  }
0xa2: {  	v5 =	vld [tilespmem:s21+$0x40]  }
0xa3: {  	v7 =	vld [tilespmem:s4+$0x40];
	v1 =	vadd.f32 v1, v4  }
0xa4: {  	v3 =	vadd.f32 v3, v8;
	v4 =	vld [tilespmem:s4+$0xFFFFFFB0]  }
0xa5: {  	s20 =	sadd.s32 $0x100, s20;
	v8 =	vld [tilespmem:s12+$0xFFFFFFE0];
	[tilespmem:s10+$0x70] =	vst v1  }
0xa6: {  	s24 =	sadd.s32 $0x2, s24;
	v0 =	vadd.f32 v0, v6;
	[tilespmem:s20+$0x0] =	vst v3;
	v1 =	vld [tilespmem:s16+$0xFFFFFFE0]  }
0xa7: {  	p2 =	slt.u32 s24, $0x7E;
	v3 =	vld [tilespmem:s25+$0x10]  }
0xa8: {  	[tilespmem:s20+$0xFFFFFF80] =	vst v0;
	v0 =	vld [tilespmem:s22+$0x10];
	v5 =	vadd.f32 v7, v5  }
0xa9: {  	v6 =	vld [tilespmem:s25+$0xFFFFFF90];
	v2 =	vadd.f32 v4, v2  }
0xaa: {  	v4 =	vld [tilespmem:s22+$0xFFFFFF90];
	[tilespmem:s11+$0x40] =	vst v5  }
0xab: {  	[tilespmem:s11+$0xFFFFFFB0] =	vst v2;
	v2 =	vld [tilespmem:s21+$0x50];
	v1 =	vadd.f32 v1, v8  }
0xac: {  	v5 =	vld [tilespmem:s4+$0x50]  }
0xad: {  	v0 =	vadd.f32 v0, v3;
	v3 =	vld [tilespmem:s21+$0xFFFFFFC0];
	[tilespmem:s10+$0xFFFFFFE0] =	vst v1  }
0xae: {  	v1 =	vld [tilespmem:s4+$0xFFFFFFC0]  }
0xaf: {  	v4 =	vadd.f32 v4, v6;
	[tilespmem:s20+$0x10] =	vst v0;
	v0 =	vld [tilespmem:s12+$0xFFFFFFF0];
	s12 =	smov.u32 s21;
	s21 =	smov.u32 s25  }
0xb0: {  	v6 =	vld [tilespmem:s25+$0x20]  }
0xb1: {  	[tilespmem:s20+$0xFFFFFF90] =	vst v4;
	v4 =	vld [tilespmem:s22+$0x20];
	v2 =	vadd.f32 v5, v2  }
0xb2: {  	v5 =	vld [tilespmem:s25+$0xFFFFFFA0]  }
0xb3: {  	v7 =	vld [tilespmem:s22+$0xFFFFFFA0];
	v1 =	vadd.f32 v1, v3;
	[tilespmem:s11+$0x50] =	vst v2  }
0xb4: {  	v2 =	vld [tilespmem:s12+$0x60]  }
0xb5: {  	[tilespmem:s11+$0xFFFFFFC0] =	vst v1;
	v8 =	vld [tilespmem:s4+$0x60]  }
0xb6: {  	v1 =	vadd.f32 v4, v6;
	v3 =	vld [tilespmem:s12+$0xFFFFFFD0]  }
.Ltmp4:
0xb7: {  	v4 =	vld [tilespmem:s4+$0xFFFFFFD0];
	(pc) =	sbr.rel @p2 .LBB2_6-.Ltmp4, $4  }
0xb8: {  	v5 =	vadd.f32 v7, v5;
	[tilespmem:s20+$0x20] =	vst v1;
	v1 =	vld [tilespmem:s16+$0xFFFFFFF0];
	s16 =	smov.u32 s4;
	s4 =	smov.u32 s22  }
0xb9: {  	v6 =	vld [tilespmem:s25+$0x30]  }
0xba: {  	[tilespmem:s20+$0xFFFFFFA0] =	vst v5;
	v7 =	vld [tilespmem:s22+$0x30];
	v5 =	vadd.f32 v8, v2  }
0xbb: {  	s25 =	sadd.s32 $0x100, s25;
	v2 =	vld [tilespmem:s21+$0xFFFFFFB0]  }
0xbc: {  	v8 =	vld [tilespmem:s4+$0xFFFFFFB0];
	_ =	sdelay $0x2  }
0xbd: {  	v6 =	vadd.f32 v7, v6;
	_ =	sdelay $0x1  }
0xbe: {  	[tilespmem:s20+$0x30] =	vst v6;
	v2 =	vadd.f32 v8, v2  }
0xbf: {  	v6 =	vld [tilespmem:s21+$0x40]  }
0xc0: {  	v7 =	vld [tilespmem:s4+$0x40];
	[tilespmem:s20+$0xFFFFFFB0] =	vst v2  }
0xc1: {  	v2 =	vld [tilespmem:s21+$0xFFFFFFC0]  }
0xc2: {  	v57 =	vld [tilespmem:s4+$0xFFFFFFC0];
	_ =	sdelay $0x2  }
0xc3: {  	v6 =	vadd.f32 v7, v6;
	_ =	sdelay $0x1  }
0xc4: {  	[tilespmem:s20+$0x40] =	vst v6;
	v2 =	vadd.f32 v57, v2  }
0xc5: {  	v6 =	vld [tilespmem:s21+$0x50]  }
0xc6: {  	v7 =	vld [tilespmem:s4+$0x50];
	[tilespmem:s20+$0xFFFFFFC0] =	vst v2  }
0xc7: {  	v2 =	vld [tilespmem:s21+$0xFFFFFFD0]  }
0xc8: {  	v58 =	vld [tilespmem:s4+$0xFFFFFFD0]  }
0xc9: {  	v3 =	vadd.f32 v4, v3;
	_ =	sdelay $0x1  }
0xca: {  	[tilespmem:s11+$0xFFFFFFD0] =	vst v3;
	v3 =	vadd.f32 v7, v6  }
0xcb: {  	v4 =	vld [tilespmem:s12+$0xFFFFFFE0]  }
0xcc: {  	v6 =	vld [tilespmem:s16+$0xFFFFFFE0];
	[tilespmem:s20+$0x50] =	vst v3;
	v2 =	vadd.f32 v58, v2  }
0xcd: {  	v3 =	vld [tilespmem:s21+$0x60]  }
0xce: {  	v7 =	vld [tilespmem:s4+$0x60];
	[tilespmem:s20+$0xFFFFFFD0] =	vst v2  }
0xcf: {  	v2 =	vld [tilespmem:s21+$0xFFFFFFE0]  }
0xd0: {  	v59 =	vld [tilespmem:s4+$0xFFFFFFE0]  }
0xd1: {  	[tilespmem:s11+$0x60] =	vst v5;
	v4 =	vadd.f32 v6, v4  }
0xd2: {  	v5 =	vld [tilespmem:s12+$0x70]  }
0xd3: {  	v6 =	vld [tilespmem:s16+$0x70];
	[tilespmem:s11+$0xFFFFFFE0] =	vst v4;
	v3 =	vadd.f32 v7, v3  }
0xd4: {  	v4 =	vld [tilespmem:s12+$0xFFFFFFF0]  }
0xd5: {  	v7 =	vld [tilespmem:s16+$0xFFFFFFF0];
	[tilespmem:s20+$0x60] =	vst v3;
	v2 =	vadd.f32 v59, v2  }
0xd6: {  	v3 =	vld [tilespmem:s21+$0x70]  }
0xd7: {  	v60 =	vld [tilespmem:s4+$0x70];
	[tilespmem:s20+$0xFFFFFFE0] =	vst v2  }
0xd8: {  	v2 =	vld [tilespmem:s21+$0xFFFFFFF0]  }
0xd9: {  	v9 =	vld [tilespmem:s4+$0xFFFFFFF0]  }
0xda: {  	v0 =	vadd.f32 v1, v0  }
0xdb: {  	v1 =	vadd.f32 v6, v5  }
0xdc: {  	[tilespmem:s10+$0xFFFFFFF0] =	vst v0;
	v0 =	vadd.f32 v7, v4  }
0xdd: {  	[tilespmem:s11+$0x70] =	vst v1;
	v1 =	vadd.f32 v60, v3  }
0xde: {  	[tilespmem:s11+$0xFFFFFFF0] =	vst v0;
	v0 =	vadd.f32 v9, v2  }
0xdf: {  	s25 =	sshll.u32 s17, $0xC;
	[tilespmem:s20+$0x70] =	vst v1  }
0xe0: {  	s4 =	sadd.s32 s25, s14;
	[tilespmem:s20+$0xFFFFFFF0] =	vst v0  }
0xe1: {  	[hbm4b:s4+s5] =	stream.linear.scatter [tilespmem:s29], [sflag:$0x7], $0x4000, $0x38;
	[tilespmem:$0x18200] =	vst v63  }
0xe2: {  	s4 =	simm.s32 @!p0 $0x1  }
0xe3: {  	_ =	swait.ge @!p0 [sflag:s4], $0x80  }
0xe4: {  	[sflag:s4] =	ssyncset.done @!p0 $0x0  }
0xe5: {  	[sflag:s4] =	ssyncadd.s32 @!p0 $0xFFFFFF80  }
0xe6: {  	_ =	swait.ge @!p0 [sflag:s4], $0x80  }
0xe7: {  	s10 =	simm.s32 @!p0 $0x0;
	[sflag:s4] =	ssyncset.done @!p0 $0x0  }
0xe8: {  	s11 =	simm.s32 @!p0 $0x200;
	[sflag:s4] =	ssyncadd.s32 @!p0 $0xFFFFFF80;
	s4 =	simm.s32 @!p0 $0x80  }
0xe9: {  	[tilespmem:s11], [sflag:$0x3] =	stream.indirect.gather @!p0 [hbm4b:s1+s4], $0x80, s10, s4, $0xb8;
	[tilespmem:$0x18200] =	vst v63  }
0xea: {  	s12 =	simm.s32 @!p0 $0x8200;
	s11 =	simm.s32 @!p0 $0x100  }
0xeb: {  	[tilespmem:s12], [sflag:$0x5] =	stream.indirect.gather @!p0 [hbm4b:s2+s4], $0x80, s11, s4, $0xb8;
	[tilespmem:$0x18200] =	vst v63  }
0xec: {  	_ =	swait.ge [sflag:s30], $0x4000  }
0xed: {  	[sflag:s30] =	ssyncset.done $0x0  }
0xee: {  	[sflag:s30] =	ssyncadd.s32 $0xFFFFC000  }
0xef: {  	s11 =	sadd.s32 @!p0 s9, s15;
	_ =	swait.ge [sflag:s31], $0x4000  }
0xf0: {  	s11 =	sshrl.u32 @!p0 s11, $0x3;
	[sflag:s31] =	ssyncset.done $0x0  }
0xf1: {  	s12 =	sadd.s32 @!p0 s7, s11;
	[sflag:s31] =	ssyncadd.s32 $0xFFFFC000  }
0xf2: {  	[tilespmem:s4], [sflag:$0x2] =	stream.linear.gather @!p0 [hbm4b:s12+s10], $0x80, $0x38;
	[tilespmem:$0x18200] =	vst v63  }
0xf3: {  	s4 =	sadd.s32 @!p0 s8, s11;
	s11 =	simm.s32 @!p0 $0x180  }
0xf4: {  	[tilespmem:s11], [sflag:$0x2] =	stream.linear.gather @!p0 [hbm4b:s4+s10], $0x80, $0x38;
	[tilespmem:$0x18200] =	vst v63  }
0xf5: {  	s4 =	simm.s32 @!p1 $0x8  }
0xf6: {  	_ =	swait.ge @!p1 [sflag:s4], $0x4000  }
0xf7: {  	[sflag:s4] =	ssyncset.done @!p1 $0x0  }
0xf8: {  	s10 =	simm.s32 $0x0;
	[sflag:s4] =	ssyncadd.s32 @!p1 $0xFFFFC000  }
0xf9: {  	v0 =	vld [tilespmem:s10+$0x4200]  }
0xfa: {  	v1 =	vld [tilespmem:s10+$0xC200]  }
0xfb: {  	v2 =	vld [tilespmem:s10+$0x4210]  }
0xfc: {  	v3 =	vld [tilespmem:s10+$0xC210]  }
0xfd: {  	v4 =	vld [tilespmem:s10+$0x4220]  }
0xfe: {  	v5 =	vld [tilespmem:s10+$0xC220]  }
0xff: {  	v6 =	vld [tilespmem:s10+$0xC230]  }
0x100: {  	v7 =	vld [tilespmem:s10+$0x42F0]  }
0x101: {  	v61 =	vld [tilespmem:s10+$0xC2F0]  }
0x102: {  	v62 =	vld [tilespmem:s10+$0x4270];
	v0 =	vadd.f32 v1, v0  }
0x103: {  	v1 =	vld [tilespmem:s10+$0x4230]  }
0x104: {  	[tilespmem:s10+$0x14200] =	vst v0;
	v0 =	vadd.f32 v3, v2;
	v2 =	vld [tilespmem:s10+$0x4240]  }
0x105: {  	v3 =	vld [tilespmem:s10+$0xC240]  }
0x106: {  	[tilespmem:s10+$0x14210] =	vst v0;
	v0 =	vadd.f32 v5, v4;
	v4 =	vld [tilespmem:s10+$0x4250]  }
0x107: {  	v5 =	vld [tilespmem:s10+$0xC250]  }
0x108: {  	[tilespmem:s10+$0x14220] =	vst v0;
	v0 =	vadd.f32 v6, v1;
	v6 =	vld [tilespmem:s10+$0x4260]  }
0x109: {  	v1 =	vadd.f32 v61, v7;
	v7 =	vld [tilespmem:s10+$0xC260]  }
0x10a: {  	[tilespmem:s10+$0x14230] =	vst v0;
	v0 =	vld [tilespmem:s10+$0x4280]  }
0x10b: {  	[tilespmem:s10+$0x142F0] =	vst v1;
	v1 =	vld [tilespmem:s10+$0xC280]  }
0x10c: {  	v63 =	vld [tilespmem:s10+$0x4290]  }
0x10d: {  	v10 =	vld [tilespmem:s10+$0xC290]  }
0x10e: {  	v11 =	vld [tilespmem:s10+$0x42A0]  }
0x10f: {  	v12 =	vld [tilespmem:s10+$0xC2A0];
	v4 =	vadd.f32 v5, v4;
	v5 =	vadd.f32 v7, v6  }
0x110: {  	v0 =	vadd.f32 v1, v0;
	v1 =	vadd.f32 v3, v2;
	v3 =	vld [tilespmem:s10+$0xC270]  }
0x111: {  	v13 =	vld [tilespmem:s10+$0x42B0];
	[tilespmem:s10+$0x14250] =	vst v4  }
0x112: {  	v14 =	vld [tilespmem:s10+$0xC2B0];
	[tilespmem:s10+$0x14260] =	vst v5  }
0x113: {  	v2 =	vadd.f32 v10, v63;
	[tilespmem:s10+$0x14280] =	vst v0;
	v0 =	vld [tilespmem:s10+$0x42C0]  }
0x114: {  	v4 =	vadd.f32 v12, v11;
	[tilespmem:s10+$0x14240] =	vst v1;
	v1 =	vld [tilespmem:s10+$0xC2C0]  }
0x115: {  	[tilespmem:s10+$0x14290] =	vst v2;
	v2 =	vld [tilespmem:s10+$0x42D0];
	v5 =	vadd.f32 v3, v62  }
0x116: {  	[tilespmem:s10+$0x142A0] =	vst v4;
	v3 =	vld [tilespmem:s10+$0xC2D0]  }
0x117: {  	s11 =	simm.s32 $0x400;
	s4 =	sor.u32 $0x80, s9;
	s9 =	simm.s32 $0x0;
	v4 =	vld [tilespmem:s10+$0x42E0];
	[tilespmem:s10+$0x14270] =	vst v5;
	v5 =	vadd.f32 v14, v13  }
.LBB2_8:
0x118: {  	s12 =	sshra.s32 s11, $0x2;
	v6 =	vld [tilespmem:s10+$0xC2E0]  }
0x119: {  	s9 =	sadd.s32 $0x2, s9;
	v7 =	vld [tilespmem:s12+$0x42F0];
	[tilespmem:s10+$0x142B0] =	vst v5;
	v0 =	vadd.f32 v1, v0  }
0x11a: {  	p1 =	slt.u32 s9, $0x7E;
	v1 =	vld [tilespmem:s12+$0xC2F0]  }
0x11b: {  	v5 =	vld [tilespmem:s12+$0x4200];
	[tilespmem:s10+$0x142C0] =	vst v0;
	v0 =	vadd.f32 v3, v2  }
0x11c: {  	v2 =	vld [tilespmem:s12+$0xC200]  }
0x11d: {  	v3 =	vld [tilespmem:s12+$0x4210];
	[tilespmem:s10+$0x142D0] =	vst v0;
	v0 =	vadd.f32 v6, v4  }
0x11e: {  	v4 =	vld [tilespmem:s12+$0xC210]  }
0x11f: {  	v6 =	vld [tilespmem:s12+$0x4220];
	v1 =	vadd.f32 v1, v7;
	[tilespmem:s10+$0x142E0] =	vst v0;
	s10 =	smov.u32 s12  }
0x120: {  	v0 =	vld [tilespmem:s10+$0xC220]  }
0x121: {  	v2 =	vadd.f32 v2, v5;
	v5 =	vld [tilespmem:s10+$0x4230];
	[tilespmem:s10+$0x142F0] =	vst v1  }
0x122: {  	v1 =	vld [tilespmem:s10+$0xC230]  }
0x123: {  	[tilespmem:s10+$0x14200] =	vst v2;
	v2 =	vadd.f32 v4, v3;
	v3 =	vld [tilespmem:s10+$0x4240]  }
0x124: {  	v4 =	vld [tilespmem:s10+$0xC240]  }
0x125: {  	[tilespmem:s10+$0x14210] =	vst v2;
	v0 =	vadd.f32 v0, v6;
	v2 =	vld [tilespmem:s10+$0x4250]  }
0x126: {  	v6 =	vld [tilespmem:s10+$0xC250]  }
0x127: {  	[tilespmem:s10+$0x14220] =	vst v0;
	v0 =	vadd.f32 v1, v5;
	v1 =	vld [tilespmem:s10+$0x4260]  }
0x128: {  	v5 =	vld [tilespmem:s10+$0xC260]  }
0x129: {  	[tilespmem:s10+$0x14230] =	vst v0;
	v0 =	vadd.f32 v4, v3;
	v3 =	vld [tilespmem:s10+$0x4270]  }
0x12a: {  	v4 =	vld [tilespmem:s10+$0xC270]  }
0x12b: {  	[tilespmem:s10+$0x14240] =	vst v0;
	v0 =	vadd.f32 v6, v2;
	v2 =	vld [tilespmem:s10+$0x4280]  }
0x12c: {  	v6 =	vld [tilespmem:s10+$0xC280]  }
0x12d: {  	[tilespmem:s10+$0x14250] =	vst v0;
	v0 =	vadd.f32 v5, v1;
	v1 =	vld [tilespmem:s10+$0x4290]  }
0x12e: {  	v5 =	vld [tilespmem:s10+$0xC290]  }
0x12f: {  	[tilespmem:s10+$0x14260] =	vst v0;
	v0 =	vadd.f32 v4, v3;
	v3 =	vld [tilespmem:s10+$0x42A0]  }
0x130: {  	v4 =	vld [tilespmem:s10+$0xC2A0]  }
0x131: {  	[tilespmem:s10+$0x14270] =	vst v0;
	v0 =	vadd.f32 v6, v2;
	v6 =	vld [tilespmem:s10+$0x42B0]  }
0x132: {  	v7 =	vld [tilespmem:s10+$0xC2B0]  }
.Ltmp5:
0x133: {  	[tilespmem:s10+$0x14280] =	vst v0;
	v2 =	vadd.f32 v5, v1;
	v0 =	vld [tilespmem:s10+$0x42C0];
	(pc) =	sbr.rel @p1 .LBB2_8-.Ltmp5, $4  }
0x134: {  	v1 =	vld [tilespmem:s10+$0xC2C0]  }
0x135: {  	[tilespmem:s10+$0x14290] =	vst v2;
	v4 =	vadd.f32 v4, v3;
	v2 =	vld [tilespmem:s10+$0x42D0]  }
0x136: {  	v3 =	vld [tilespmem:s10+$0xC2D0]  }
0x137: {  	s11 =	sadd.s32 $0x400, s11;
	[tilespmem:s10+$0x142A0] =	vst v4;
	v5 =	vadd.f32 v7, v6;
	v4 =	vld [tilespmem:s10+$0x42E0]  }
0x138: {  	v6 =	vld [tilespmem:s10+$0xC2E0];
	_ =	sdelay $0x2  }
0x139: {  	v0 =	vadd.f32 v1, v0  }
.Ltmp6:
0x13a: {  	[tilespmem:s10+$0x142B0] =	vst v5;
	v62 =	vadd.f32 v3, v2;
	(pc) =	sbr.rel @p0 .LBB2_11-.Ltmp6, $4  }
0x13b: {  	s4 =	sadd.s32 s6, s4;
	[tilespmem:s10+$0x142C0] =	vst v0;
	v63 =	vadd.f32 v6, v4  }
0x13c: {  	s9 =	rddreg [dreg:$0x3];
	s4 =	sshll.u32 s4, $0x4;
	[tilespmem:s10+$0x142D0] =	vst v62  }
0x13d: {  	s4 =	sadd.s32 s9, s4;
	[tilespmem:s10+$0x142E0] =	vst v63  }
0x13e: {  	[hbm4b:s4+s5] =	stream.linear.scatter [tilespmem:s0], [sflag:$0x8], $0x4000, $0x38;
	[tilespmem:$0x18200] =	vst v63  }
0x13f: {  	_ =	swait.ge [sflag:s23], $0x80  }
0x140: {  	[sflag:s23] =	ssyncset.done $0x0  }
0x141: {  	[sflag:s23] =	ssyncadd.s32 $0xFFFFFF80  }
0x142: {  	_ =	swait.ge [sflag:s23], $0x80  }
.Ltmp7:
0x143: {  	[sflag:s23] =	ssyncset.done $0x0;
	(pc) =	sbr.rel .LBB2_2-.Ltmp7, $4  }
0x144: {  	s4 =	simm.s32 $0x4200;
	[sflag:s23] =	ssyncadd.s32 $0xFFFFFF80  }
0x145: {  	[tilespmem:s4], [sflag:$0x4] =	stream.indirect.gather [hbm4b:s1+s18], $0x80, s18, s18, $0xb8;
	[tilespmem:$0x18200] =	vst v63  }
0x146: {  	s25 =	simm.s32 $0xC200;
	s17 =	sadd.s32 $0x1, s17  }
0x147: {  	[tilespmem:s25], [sflag:$0x6] =	stream.indirect.gather [hbm4b:s2+s18], $0x80, s19, s18, $0xb8;
	[tilespmem:$0x18200] =	vst v63  }
.LBB2_12:
0x148: {  	_ =	sfence.sel $0x180000  }
0x149: {  	[bflag:$0x0] =	sbarrier.arrive $0xFFFF  }
0x14a: {  	_ =	strace $0x90000047  }
0x14b: {  	s0 =	stileid.u32;
	[bflag:$0x2] =	sbarrier.arrive $0xFFFF  }
0x14c: {  	p0 =	sne.s32 s0, $0x0;
	s0 =	rddreg [dreg:$0x4]  }
0x14d: {  	s0 =	sadd.s32 @!p0 $0x100000, s0  }
0x14e: {  	[sflag:s0] =	ssyncadd.tile.s32 @!p0 $0x1;
	_ =	shalt  }
.Lfunc_end2:
_tile_overlayer_lowered:
.L_overlay_start_2:
0x14f: {  	(tag) =	ssettag $0x2  }
0x150: {  	s0 =	rddreg [dreg:$0x0];
	s2 =	stileid.u32  }
0x151: {  	s1 =	rddreg [dreg:$0x1];
	p0 =	sne.s32 s2, $0x0  }
0x152: {  	s3 =	rddreg [dreg:$0x2];
	[bflag:$0x3] =	sbarrier.arrive $0xFFFF;
	s2 =	simm.s32 @!p0 $0x1C09  }
0x153: {  	[timem:s3], [sflag:s2] =	dma.local @!p0 [hbm:s0], s1  }
0x154: {  	s0 =	simm.s32 @!p0 $0x9  }
0x155: {  	_ =	swait.ge @!p0 [sflag:s0], s1  }
0x156: {  	s1 =	ssub.s32 @!p0 $0x0, s1;
	[sflag:s0] =	ssyncset.done @!p0 $0x0  }
0x157: {  	[sflag:s0] =	ssyncadd.s32 @!p0 s1  }
0x158: {  	[bflag:$0x3] =	sbarrier.arrive $0xFFFF  }
0x159: {  	_ =	shalt  }

</sc_bundles>
